<compile_context>
chip_gen: v7x
topology: tpu7x:2x2x1
jax: 0.10.2.dev20260603
libtpu: 0.0.44.dev20260713+nightly
codegen_flags: <defaults>
</compile_context>

<pallas_src>
import jax
import jax.numpy as jnp
from jax import lax
from jax.experimental import pallas as pl
from jax.experimental.pallas import tpu as pltpu
from jax.experimental.pallas import tpu_sc as plsc

ROWS = 32768
E = 64
K = 8
L = 16
NC = 2
NS = 16
NW = NC * NS
RPW = ROWS // NW
C = 128


def _tec_body(x_hbm, idx_hbm, soft_hbm, hard_hbm,
              x_v0, x_v1, idxo_v, hard_v, sem0, sem1):
  wid = lax.axis_index("s") * NC + lax.axis_index("c")
  iot = lax.iota(jnp.int32, L)
  m8 = iot < K
  perm8 = (iot + K) & (L - 1)
  zero16 = jnp.zeros((L,), jnp.int32)
  last16 = jnp.full((L,), L - 1, jnp.int32)

  def merge(a, b):
    ka, va = a
    kb, vb = b
    gk = jnp.take_along_axis(kb, perm8, axis=0)
    gv = jnp.take_along_axis(vb, perm8, axis=0)
    ck = jnp.where(m8, ka, gk)
    cv = jnp.where(m8, va, gv)
    return plsc.sort_key_val(ck, cv, descending=True)

  def do_chunk(row0, buf):
    @plsc.parallel_loop(0, C, unroll=2)
    def row_body(r):
      vals = []
      runs = []
      for j in range(E // L):
        v = buf[r, pl.ds(j * L, L)]
        runs.append(plsc.sort_key_val(v, iot + jnp.int32(j * L),
                                      descending=True))
        vals.append(v)
      fv, fi = merge(merge(runs[0], runs[1]), merge(runs[2], runs[3]))
      mx = jnp.take_along_axis(fv, zero16, axis=0)

      es = [jnp.exp(v - mx) for v in vals]
      cs = jnp.cumsum(es[0] + es[1] + es[2] + es[3])
      sinv = 1.0 / jnp.take_along_axis(cs, last16, axis=0)
      for j in range(E // L):
        buf[r, pl.ds(j * L, L)] = es[j] * sinv

      he = jnp.exp(fv - mx)
      hcs = jnp.cumsum(jnp.where(m8, he, 0.0))
      hinv = 1.0 / jnp.take_along_axis(hcs, last16, axis=0)
      rsplat = zero16 + r
      plsc.store_scatter(idxo_v, [rsplat, iot], fi, mask=m8)
      plsc.store_scatter(hard_v, [rsplat, iot], he * hinv, mask=m8)

    pltpu.sync_copy(buf, soft_hbm.at[pl.ds(row0, C)])
    pltpu.sync_copy(idxo_v, idx_hbm.at[pl.ds(row0, C)])
    pltpu.sync_copy(hard_v, hard_hbm.at[pl.ds(row0, C)])

  base0 = wid * RPW
  pltpu.async_copy(x_hbm.at[pl.ds(base0, C)], x_v0, sem0)
  nch2 = RPW // C // 2

  def chunk2_body(i, carry):
    base = base0 + i * (2 * C)
    pltpu.make_async_copy(x_hbm.at[pl.ds(base, C)], x_v0, sem0).wait()
    h1 = pltpu.async_copy(x_hbm.at[pl.ds(base + C, C)], x_v1, sem1)
    do_chunk(base, x_v0)

    @pl.when(i < nch2 - 1)
    def _():
      pltpu.async_copy(x_hbm.at[pl.ds(base + 2 * C, C)], x_v0, sem0)

    h1.wait()
    do_chunk(base + C, x_v1)
    return carry

  lax.fori_loop(0, nch2, chunk2_body, 0)


@jax.jit
def _gate(x):
  mesh = plsc.VectorSubcoreMesh(
      core_axis_name="c", subcore_axis_name="s", num_cores=NC, num_subcores=NS
  )
  run = pl.kernel(
      _tec_body,
      out_type=(
          jax.ShapeDtypeStruct((ROWS, K), jnp.int32),
          jax.ShapeDtypeStruct((ROWS, E), jnp.float32),
          jax.ShapeDtypeStruct((ROWS, K), jnp.float32),
      ),
      mesh=mesh,
      compiler_params=pltpu.CompilerParams(needs_layout_passes=False),
      scratch_types=[
          pltpu.VMEM((C, E), jnp.float32),
          pltpu.VMEM((C, E), jnp.float32),
          pltpu.VMEM((C, K), jnp.int32),
          pltpu.VMEM((C, K), jnp.float32),
          pltpu.SemaphoreType.DMA,
          pltpu.SemaphoreType.DMA,
      ],
  )
  return run(x)


def kernel(logits):
  return _gate(logits)

# --- scband reference (transcript-rebuilt; emitter-appended) ---
"""Pipeline reference for scband-top-kgating-24068996727029 (READ-ONLY COPY).

The authoritative reference and input builder live on the scoring server;
editing this copy changes nothing except your own understanding.
"""

import jax, jax.numpy as jnp
import numpy as np

K = 8

def setup_inputs(seed: int = 0) -> dict:
    key = jax.random.key(seed)
    logits = jax.random.normal(key, (32768, 64), dtype=jnp.float32)
    return {"logits": logits}

def reference(logits):
    # use_gumbel=False so no gumbel noise branch; temperature unused
    soft_weights = jax.nn.softmax(logits, axis=-1)
    top_k_logits, top_k_indices = jax.lax.top_k(logits, K)
    hard_weights = jax.nn.softmax(top_k_logits, axis=-1)
    return (top_k_indices, soft_weights, hard_weights)

if __name__ == "__main__":
    import jax
    _d = setup_inputs()
    print(jax.jit(kernel)(*tuple(_d.values())))

</pallas_src>

<mosaic_0001>
#map = affine_map<(d0, d1) -> (0, 0)>
module attributes {stable_mosaic.version = 14 : i64} {
  func.func @_tec_body(%arg0: i32, %arg1: i32, %arg2: memref<32768x64xf32, #tpu.memory_space<hbm>>, %arg3: memref<32768x8xi32, #tpu.memory_space<hbm>>, %arg4: memref<32768x64xf32, #tpu.memory_space<hbm>>, %arg5: memref<32768x8xf32, #tpu.memory_space<hbm>>, %arg6: memref<128x64xf32, #tpu.memory_space<vmem>>, %arg7: memref<128x64xf32, #tpu.memory_space<vmem>>, %arg8: memref<128x8xi32, #tpu.memory_space<vmem>>, %arg9: memref<128x8xf32, #tpu.memory_space<vmem>>, %arg10: memref<!tpu.dma_semaphore, #tpu.memory_space<semaphore_mem>>, %arg11: memref<!tpu.dma_semaphore, #tpu.memory_space<semaphore_mem>>) attributes {dimension_semantics = [#tpu.dimension_semantics<core_parallel>, #tpu.dimension_semantics<subcore_parallel>], iteration_bounds = array<i64: 2, 16>, scalar_prefetch = 0 : i64, scratch_operands = 6 : i64, tpu.core_type = #tpu.core_type<sc_vector_subcore>, window_params = [{transform_indices = #map}, {transform_indices = #map}, {transform_indices = #map}, {transform_indices = #map}]} {
    %mul3A = arith.constant 2 : i32
    %mul3A_0 = arith.muli %arg1, %mul3A : i32
    %add3A = arith.addi %mul3A_0, %arg0 : i32
    %iota3A = tpu.iota {dimensions = array<i32: 0>} : vector<16xi32>
    %lt3A = arith.constant 8 : i32
    %lt3A_1 = vector.broadcast %lt3A : i32 to vector<16xi32>
    %lt3A_2 = arith.cmpi slt, %iota3A, %lt3A_1 : vector<16xi32>
    %add3A_3 = arith.constant 8 : i32
    %add3A_4 = vector.broadcast %add3A_3 : i32 to vector<16xi32>
    %add3A_5 = arith.addi %iota3A, %add3A_4 : vector<16xi32>
    %and3A = arith.constant 15 : i32
    %and3A_6 = vector.broadcast %and3A : i32 to vector<16xi32>
    %and3A_7 = arith.andi %add3A_5, %and3A_6 : vector<16xi32>
    %broadcast_in_dim3A = arith.constant 0 : i32
    %broadcast_in_dim3A_8 = vector.broadcast %broadcast_in_dim3A : i32 to vector<16xi32>
    %broadcast_in_dim3A_9 = arith.constant 15 : i32
    %broadcast_in_dim3A_10 = vector.broadcast %broadcast_in_dim3A_9 : i32 to vector<16xi32>
    %mul3A_11 = arith.constant 1024 : i32
    %mul3A_12 = arith.muli %add3A, %mul3A_11 : i32
    %dma_start3A = arith.constant 0 : i32
    %dma_start3A_13 = tpu.memref_slice %arg2[%mul3A_12, %dma_start3A] : memref<32768x64xf32, #tpu.memory_space<hbm>> -> memref<128x64xf32, #tpu.memory_space<hbm>>
    %dma_start3A_14 = arith.constant 0 : i32
    %dma_start3A_15 = tpu.memref_slice %arg2[%mul3A_12, %dma_start3A_14] : memref<32768x64xf32, #tpu.memory_space<hbm>> -> memref<128x64xf32, #tpu.memory_space<hbm>>
    tpu.enqueue_dma source(%dma_start3A_15 : memref<128x64xf32, #tpu.memory_space<hbm>>) target(%arg6 : memref<128x64xf32, #tpu.memory_space<vmem>>) target_semaphore(%arg10 : memref<!tpu.dma_semaphore, #tpu.memory_space<semaphore_mem>>)
    %scan3A = arith.constant 0 : i32
    %scan3A_16 = arith.constant 0 : i32
    %scan3A_17 = arith.constant 4 : i32
    %scan3A_18 = arith.addi %scan3A_16, %scan3A_17 : i32
    %scan3A_19 = arith.constant 1 : i32
    scf.for %scan3A_21 = %scan3A_16 to %scan3A_18 step %scan3A_19  : i32 {
      %mul3A_22 = arith.constant 256 : i32
      %mul3A_23 = arith.muli %scan3A_21, %mul3A_22 : i32
      %add3A_24 = arith.addi %mul3A_12, %mul3A_23 : i32
      %dma_wait3A = arith.constant 0 : i32
      %dma_wait3A_25 = tpu.memref_slice %arg2[%add3A_24, %dma_wait3A] : memref<32768x64xf32, #tpu.memory_space<hbm>> -> memref<128x64xf32, #tpu.memory_space<hbm>>
      %dma_wait3A_26 = arith.constant 0 : i32
      %dma_wait3A_27 = tpu.memref_slice %arg2[%add3A_24, %dma_wait3A_26] : memref<32768x64xf32, #tpu.memory_space<hbm>> -> memref<128x64xf32, #tpu.memory_space<hbm>>
      tpu.wait_dma2 semaphore(%arg10 : memref<!tpu.dma_semaphore, #tpu.memory_space<semaphore_mem>>) src(%dma_wait3A_27 : memref<128x64xf32, #tpu.memory_space<hbm>>) dst(%arg6 : memref<128x64xf32, #tpu.memory_space<vmem>>)
      %add3A_28 = arith.constant 128 : i32
      %add3A_29 = arith.addi %add3A_24, %add3A_28 : i32
      %dma_start3A_30 = arith.constant 0 : i32
      %dma_start3A_31 = tpu.memref_slice %arg2[%add3A_29, %dma_start3A_30] : memref<32768x64xf32, #tpu.memory_space<hbm>> -> memref<128x64xf32, #tpu.memory_space<hbm>>
      %dma_start3A_32 = arith.constant 0 : i32
      %dma_start3A_33 = tpu.memref_slice %arg2[%add3A_29, %dma_start3A_32] : memref<32768x64xf32, #tpu.memory_space<hbm>> -> memref<128x64xf32, #tpu.memory_space<hbm>>
      tpu.enqueue_dma source(%dma_start3A_33 : memref<128x64xf32, #tpu.memory_space<hbm>>) target(%arg7 : memref<128x64xf32, #tpu.memory_space<vmem>>) target_semaphore(%arg11 : memref<!tpu.dma_semaphore, #tpu.memory_space<semaphore_mem>>)
      %parallel_loop3A = arith.constant 0 : i32
      %parallel_loop3A_34 = arith.constant 128 : i32
      %parallel_loop3A_35 = arith.constant 1 : i32
      scf.for %parallel_loop3A_48 = %parallel_loop3A to %parallel_loop3A_34 step %parallel_loop3A_35  : i32 {
        %parallel_loop3A_49 = arith.index_cast %parallel_loop3A_48 : i32 to index
        %parallel_loop3A_50 = arith.constant 0 : index
        %parallel_loop3A_51 = tpu.vector_load %arg6[%parallel_loop3A_49, %parallel_loop3A_50] {strides = array<i32>} : memref<128x64xf32, #tpu.memory_space<vmem>>, vector<16xf32>,
        %parallel_loop3A_52 = arith.constant 0 : i32
        %parallel_loop3A_53 = vector.broadcast %parallel_loop3A_52 : i32 to vector<16xi32>
        %parallel_loop3A_54 = arith.addi %iota3A, %parallel_loop3A_53 : vector<16xi32>
        %parallel_loop3A_55 = arith.constant dense<true> : vector<16xi1>
        %parallel_loop3A_56, %parallel_loop3A_57, %parallel_loop3A_58 = tpu.sort %parallel_loop3A_51, %parallel_loop3A_54 masked %parallel_loop3A_55 {descending = true} : (vector<16xf32>, vector<16xi32>, vector<16xi1>) -> (vector<16xi1>, vector<16xf32>, vector<16xi32>)
        %parallel_loop3A_59 = arith.index_cast %parallel_loop3A_48 : i32 to index
        %parallel_loop3A_60 = arith.constant 16 : index
        %parallel_loop3A_61 = tpu.vector_load %arg6[%parallel_loop3A_59, %parallel_loop3A_60] {strides = array<i32>} : memref<128x64xf32, #tpu.memory_space<vmem>>, vector<16xf32>,
        %parallel_loop3A_62 = arith.constant 16 : i32
        %parallel_loop3A_63 = vector.broadcast %parallel_loop3A_62 : i32 to vector<16xi32>
        %parallel_loop3A_64 = arith.addi %iota3A, %parallel_loop3A_63 : vector<16xi32>
        %parallel_loop3A_65 = arith.constant dense<true> : vector<16xi1>
        %parallel_loop3A_66, %parallel_loop3A_67, %parallel_loop3A_68 = tpu.sort %parallel_loop3A_61, %parallel_loop3A_64 masked %parallel_loop3A_65 {descending = true} : (vector<16xf32>, vector<16xi32>, vector<16xi1>) -> (vector<16xi1>, vector<16xf32>, vector<16xi32>)
        %parallel_loop3A_69 = arith.index_cast %parallel_loop3A_48 : i32 to index
        %parallel_loop3A_70 = arith.constant 32 : index
        %parallel_loop3A_71 = tpu.vector_load %arg6[%parallel_loop3A_69, %parallel_loop3A_70] {strides = array<i32>} : memref<128x64xf32, #tpu.memory_space<vmem>>, vector<16xf32>,
        %parallel_loop3A_72 = arith.constant 32 : i32
        %parallel_loop3A_73 = vector.broadcast %parallel_loop3A_72 : i32 to vector<16xi32>
        %parallel_loop3A_74 = arith.addi %iota3A, %parallel_loop3A_73 : vector<16xi32>
        %parallel_loop3A_75 = arith.constant dense<true> : vector<16xi1>
        %parallel_loop3A_76, %parallel_loop3A_77, %parallel_loop3A_78 = tpu.sort %parallel_loop3A_71, %parallel_loop3A_74 masked %parallel_loop3A_75 {descending = true} : (vector<16xf32>, vector<16xi32>, vector<16xi1>) -> (vector<16xi1>, vector<16xf32>, vector<16xi32>)
        %parallel_loop3A_79 = arith.index_cast %parallel_loop3A_48 : i32 to index
        %parallel_loop3A_80 = arith.constant 48 : index
        %parallel_loop3A_81 = tpu.vector_load %arg6[%parallel_loop3A_79, %parallel_loop3A_80] {strides = array<i32>} : memref<128x64xf32, #tpu.memory_space<vmem>>, vector<16xf32>,
        %parallel_loop3A_82 = arith.constant 48 : i32
        %parallel_loop3A_83 = vector.broadcast %parallel_loop3A_82 : i32 to vector<16xi32>
        %parallel_loop3A_84 = arith.addi %iota3A, %parallel_loop3A_83 : vector<16xi32>
        %parallel_loop3A_85 = arith.constant dense<true> : vector<16xi1>
        %parallel_loop3A_86, %parallel_loop3A_87, %parallel_loop3A_88 = tpu.sort %parallel_loop3A_81, %parallel_loop3A_84 masked %parallel_loop3A_85 {descending = true} : (vector<16xf32>, vector<16xi32>, vector<16xi1>) -> (vector<16xi1>, vector<16xf32>, vector<16xi32>)
        %parallel_loop3A_89 = arith.constant 0 : i32
        %parallel_loop3A_90 = vector.broadcast %parallel_loop3A_89 : i32 to vector<16xi32>
        %parallel_loop3A_91 = arith.cmpi slt, %and3A_7, %parallel_loop3A_90 : vector<16xi32>
        %parallel_loop3A_92 = arith.constant 16 : i32
        %parallel_loop3A_93 = vector.broadcast %parallel_loop3A_92 : i32 to vector<16xi32>
        %parallel_loop3A_94 = arith.addi %and3A_7, %parallel_loop3A_93 : vector<16xi32>
        %parallel_loop3A_95 = arith.select %parallel_loop3A_91, %parallel_loop3A_94, %and3A_7 : vector<16xi1>, vector<16xi32>
        %parallel_loop3A_96 = vector.shape_cast %parallel_loop3A_95 : vector<16xi32> to vector<16x1xi32>
        %parallel_loop3A_97 = vector.shape_cast %parallel_loop3A_96 : vector<16x1xi32> to vector<16xi32>
        %parallel_loop3A_98 = tpu.dynamic_gather %parallel_loop3A_67[%parallel_loop3A_97] in [0] : vector<16xf32>, vector<16xi32> -> vector<16xf32>
        %parallel_loop3A_99 = arith.constant 0 : i32
        %parallel_loop3A_100 = vector.broadcast %parallel_loop3A_99 : i32 to vector<16xi32>
        %parallel_loop3A_101 = arith.cmpi slt, %and3A_7, %parallel_loop3A_100 : vector<16xi32>
        %parallel_loop3A_102 = arith.constant 16 : i32
        %parallel_loop3A_103 = vector.broadcast %parallel_loop3A_102 : i32 to vector<16xi32>
        %parallel_loop3A_104 = arith.addi %and3A_7, %parallel_loop3A_103 : vector<16xi32>
        %parallel_loop3A_105 = arith.select %parallel_loop3A_101, %parallel_loop3A_104, %and3A_7 : vector<16xi1>, vector<16xi32>
        %parallel_loop3A_106 = vector.shape_cast %parallel_loop3A_105 : vector<16xi32> to vector<16x1xi32>
        %parallel_loop3A_107 = vector.shape_cast %parallel_loop3A_106 : vector<16x1xi32> to vector<16xi32>
        %parallel_loop3A_108 = tpu.dynamic_gather %parallel_loop3A_68[%parallel_loop3A_107] in [0] : vector<16xi32>, vector<16xi32> -> vector<16xi32>
        %parallel_loop3A_109 = arith.select %lt3A_2, %parallel_loop3A_57, %parallel_loop3A_98 : vector<16xi1>, vector<16xf32>
        %parallel_loop3A_110 = arith.select %lt3A_2, %parallel_loop3A_58, %parallel_loop3A_108 : vector<16xi1>, vector<16xi32>
        %parallel_loop3A_111 = arith.constant dense<true> : vector<16xi1>
        %parallel_loop3A_112, %parallel_loop3A_113, %parallel_loop3A_114 = tpu.sort %parallel_loop3A_109, %parallel_loop3A_110 masked %parallel_loop3A_111 {descending = true} : (vector<16xf32>, vector<16xi32>, vector<16xi1>) -> (vector<16xi1>, vector<16xf32>, vector<16xi32>)
        %parallel_loop3A_115 = arith.constant 0 : i32
        %parallel_loop3A_116 = vector.broadcast %parallel_loop3A_115 : i32 to vector<16xi32>
        %parallel_loop3A_117 = arith.cmpi slt, %and3A_7, %parallel_loop3A_116 : vector<16xi32>
        %parallel_loop3A_118 = arith.constant 16 : i32
        %parallel_loop3A_119 = vector.broadcast %parallel_loop3A_118 : i32 to vector<16xi32>
        %parallel_loop3A_120 = arith.addi %and3A_7, %parallel_loop3A_119 : vector<16xi32>
        %parallel_loop3A_121 = arith.select %parallel_loop3A_117, %parallel_loop3A_120, %and3A_7 : vector<16xi1>, vector<16xi32>
        %parallel_loop3A_122 = vector.shape_cast %parallel_loop3A_121 : vector<16xi32> to vector<16x1xi32>
        %parallel_loop3A_123 = vector.shape_cast %parallel_loop3A_122 : vector<16x1xi32> to vector<16xi32>
        %parallel_loop3A_124 = tpu.dynamic_gather %parallel_loop3A_87[%parallel_loop3A_123] in [0] : vector<16xf32>, vector<16xi32> -> vector<16xf32>
        %parallel_loop3A_125 = arith.constant 0 : i32
        %parallel_loop3A_126 = vector.broadcast %parallel_loop3A_125 : i32 to vector<16xi32>
        %parallel_loop3A_127 = arith.cmpi slt, %and3A_7, %parallel_loop3A_126 : vector<16xi32>
        %parallel_loop3A_128 = arith.constant 16 : i32
        %parallel_loop3A_129 = vector.broadcast %parallel_loop3A_128 : i32 to vector<16xi32>
        %parallel_loop3A_130 = arith.addi %and3A_7, %parallel_loop3A_129 : vector<16xi32>
        %parallel_loop3A_131 = arith.select %parallel_loop3A_127, %parallel_loop3A_130, %and3A_7 : vector<16xi1>, vector<16xi32>
        %parallel_loop3A_132 = vector.shape_cast %parallel_loop3A_131 : vector<16xi32> to vector<16x1xi32>
        %parallel_loop3A_133 = vector.shape_cast %parallel_loop3A_132 : vector<16x1xi32> to vector<16xi32>
        %parallel_loop3A_134 = tpu.dynamic_gather %parallel_loop3A_88[%parallel_loop3A_133] in [0] : vector<16xi32>, vector<16xi32> -> vector<16xi32>
        %parallel_loop3A_135 = arith.select %lt3A_2, %parallel_loop3A_77, %parallel_loop3A_124 : vector<16xi1>, vector<16xf32>
        %parallel_loop3A_136 = arith.select %lt3A_2, %parallel_loop3A_78, %parallel_loop3A_134 : vector<16xi1>, vector<16xi32>
        %parallel_loop3A_137 = arith.constant dense<true> : vector<16xi1>
        %parallel_loop3A_138, %parallel_loop3A_139, %parallel_loop3A_140 = tpu.sort %parallel_loop3A_135, %parallel_loop3A_136 masked %parallel_loop3A_137 {descending = true} : (vector<16xf32>, vector<16xi32>, vector<16xi1>) -> (vector<16xi1>, vector<16xf32>, vector<16xi32>)
        %parallel_loop3A_141 = arith.constant 0 : i32
        %parallel_loop3A_142 = vector.broadcast %parallel_loop3A_141 : i32 to vector<16xi32>
        %parallel_loop3A_143 = arith.cmpi slt, %and3A_7, %parallel_loop3A_142 : vector<16xi32>
        %parallel_loop3A_144 = arith.constant 16 : i32
        %parallel_loop3A_145 = vector.broadcast %parallel_loop3A_144 : i32 to vector<16xi32>
        %parallel_loop3A_146 = arith.addi %and3A_7, %parallel_loop3A_145 : vector<16xi32>
        %parallel_loop3A_147 = arith.select %parallel_loop3A_143, %parallel_loop3A_146, %and3A_7 : vector<16xi1>, vector<16xi32>
        %parallel_loop3A_148 = vector.shape_cast %parallel_loop3A_147 : vector<16xi32> to vector<16x1xi32>
        %parallel_loop3A_149 = vector.shape_cast %parallel_loop3A_148 : vector<16x1xi32> to vector<16xi32>
        %parallel_loop3A_150 = tpu.dynamic_gather %parallel_loop3A_139[%parallel_loop3A_149] in [0] : vector<16xf32>, vector<16xi32> -> vector<16xf32>
        %parallel_loop3A_151 = arith.constant 0 : i32
        %parallel_loop3A_152 = vector.broadcast %parallel_loop3A_151 : i32 to vector<16xi32>
        %parallel_loop3A_153 = arith.cmpi slt, %and3A_7, %parallel_loop3A_152 : vector<16xi32>
        %parallel_loop3A_154 = arith.constant 16 : i32
        %parallel_loop3A_155 = vector.broadcast %parallel_loop3A_154 : i32 to vector<16xi32>
        %parallel_loop3A_156 = arith.addi %and3A_7, %parallel_loop3A_155 : vector<16xi32>
        %parallel_loop3A_157 = arith.select %parallel_loop3A_153, %parallel_loop3A_156, %and3A_7 : vector<16xi1>, vector<16xi32>
        %parallel_loop3A_158 = vector.shape_cast %parallel_loop3A_157 : vector<16xi32> to vector<16x1xi32>
        %parallel_loop3A_159 = vector.shape_cast %parallel_loop3A_158 : vector<16x1xi32> to vector<16xi32>
        %parallel_loop3A_160 = tpu.dynamic_gather %parallel_loop3A_140[%parallel_loop3A_159] in [0] : vector<16xi32>, vector<16xi32> -> vector<16xi32>
        %parallel_loop3A_161 = arith.select %lt3A_2, %parallel_loop3A_113, %parallel_loop3A_150 : vector<16xi1>, vector<16xf32>
        %parallel_loop3A_162 = arith.select %lt3A_2, %parallel_loop3A_114, %parallel_loop3A_160 : vector<16xi1>, vector<16xi32>
        %parallel_loop3A_163 = arith.constant dense<true> : vector<16xi1>
        %parallel_loop3A_164, %parallel_loop3A_165, %parallel_loop3A_166 = tpu.sort %parallel_loop3A_161, %parallel_loop3A_162 masked %parallel_loop3A_163 {descending = true} : (vector<16xf32>, vector<16xi32>, vector<16xi1>) -> (vector<16xi1>, vector<16xf32>, vector<16xi32>)
        %parallel_loop3A_167 = arith.constant 0 : i32
        %parallel_loop3A_168 = vector.broadcast %parallel_loop3A_167 : i32 to vector<16xi32>
        %parallel_loop3A_169 = arith.cmpi slt, %broadcast_in_dim3A_8, %parallel_loop3A_168 : vector<16xi32>
        %parallel_loop3A_170 = arith.constant 16 : i32
        %parallel_loop3A_171 = vector.broadcast %parallel_loop3A_170 : i32 to vector<16xi32>
        %parallel_loop3A_172 = arith.addi %broadcast_in_dim3A_8, %parallel_loop3A_171 : vector<16xi32>
        %parallel_loop3A_173 = arith.select %parallel_loop3A_169, %parallel_loop3A_172, %broadcast_in_dim3A_8 : vector<16xi1>, vector<16xi32>
        %parallel_loop3A_174 = vector.shape_cast %parallel_loop3A_173 : vector<16xi32> to vector<16x1xi32>
        %parallel_loop3A_175 = vector.shape_cast %parallel_loop3A_174 : vector<16x1xi32> to vector<16xi32>
        %parallel_loop3A_176 = tpu.dynamic_gather %parallel_loop3A_165[%parallel_loop3A_175] in [0] : vector<16xf32>, vector<16xi32> -> vector<16xf32>
        %parallel_loop3A_177 = arith.subf %parallel_loop3A_51, %parallel_loop3A_176 : vector<16xf32>
        %parallel_loop3A_178 = math.exp %parallel_loop3A_177 : vector<16xf32>
        %parallel_loop3A_179 = arith.subf %parallel_loop3A_61, %parallel_loop3A_176 : vector<16xf32>
        %parallel_loop3A_180 = math.exp %parallel_loop3A_179 : vector<16xf32>
        %parallel_loop3A_181 = arith.subf %parallel_loop3A_71, %parallel_loop3A_176 : vector<16xf32>
        %parallel_loop3A_182 = math.exp %parallel_loop3A_181 : vector<16xf32>
        %parallel_loop3A_183 = arith.subf %parallel_loop3A_81, %parallel_loop3A_176 : vector<16xf32>
        %parallel_loop3A_184 = math.exp %parallel_loop3A_183 : vector<16xf32>
        %parallel_loop3A_185 = arith.addf %parallel_loop3A_178, %parallel_loop3A_180 : vector<16xf32>
        %parallel_loop3A_186 = arith.addf %parallel_loop3A_185, %parallel_loop3A_182 : vector<16xf32>
        %parallel_loop3A_187 = arith.addf %parallel_loop3A_186, %parallel_loop3A_184 : vector<16xf32>
        %parallel_loop3A_188 = arith.constant true
        %parallel_loop3A_189 = vector.broadcast %parallel_loop3A_188 : i1 to vector<16xi1>
        %parallel_loop3A_190 = tpu.scan <sum>, %parallel_loop3A_187 masked %parallel_loop3A_189 : vector<16xf32>, vector<16xi1> -> vector<16xf32>
        %parallel_loop3A_191 = arith.constant 0 : i32
        %parallel_loop3A_192 = vector.broadcast %parallel_loop3A_191 : i32 to vector<16xi32>
        %parallel_loop3A_193 = arith.cmpi slt, %broadcast_in_dim3A_10, %parallel_loop3A_192 : vector<16xi32>
        %parallel_loop3A_194 = arith.constant 16 : i32
        %parallel_loop3A_195 = vector.broadcast %parallel_loop3A_194 : i32 to vector<16xi32>
        %parallel_loop3A_196 = arith.addi %broadcast_in_dim3A_10, %parallel_loop3A_195 : vector<16xi32>
        %parallel_loop3A_197 = arith.select %parallel_loop3A_193, %parallel_loop3A_196, %broadcast_in_dim3A_10 : vector<16xi1>, vector<16xi32>
        %parallel_loop3A_198 = vector.shape_cast %parallel_loop3A_197 : vector<16xi32> to vector<16x1xi32>
        %parallel_loop3A_199 = vector.shape_cast %parallel_loop3A_198 : vector<16x1xi32> to vector<16xi32>
        %parallel_loop3A_200 = tpu.dynamic_gather %parallel_loop3A_190[%parallel_loop3A_199] in [0] : vector<16xf32>, vector<16xi32> -> vector<16xf32>
        %parallel_loop3A_201 = arith.constant 1.000000e+00 : f32
        %parallel_loop3A_202 = vector.broadcast %parallel_loop3A_201 : f32 to vector<16xf32>
        %parallel_loop3A_203 = arith.divf %parallel_loop3A_202, %parallel_loop3A_200 : vector<16xf32>
        %parallel_loop3A_204 = arith.mulf %parallel_loop3A_178, %parallel_loop3A_203 : vector<16xf32>
        %parallel_loop3A_205 = arith.index_cast %parallel_loop3A_48 : i32 to index
        %parallel_loop3A_206 = arith.constant 0 : index
        %parallel_loop3A_207 = tpu.vector_load %arg6[%parallel_loop3A_205, %parallel_loop3A_206] {strides = array<i32>} : memref<128x64xf32, #tpu.memory_space<vmem>>, vector<16xf32>,
        tpu.vector_store %arg6[%parallel_loop3A_205, %parallel_loop3A_206], %parallel_loop3A_204 {strides = array<i32>} : memref<128x64xf32, #tpu.memory_space<vmem>>, vector<16xf32>,
        %parallel_loop3A_208 = arith.mulf %parallel_loop3A_180, %parallel_loop3A_203 : vector<16xf32>
        %parallel_loop3A_209 = arith.index_cast %parallel_loop3A_48 : i32 to index
        %parallel_loop3A_210 = arith.constant 16 : index
        %parallel_loop3A_211 = tpu.vector_load %arg6[%parallel_loop3A_209, %parallel_loop3A_210] {strides = array<i32>} : memref<128x64xf32, #tpu.memory_space<vmem>>, vector<16xf32>,
        tpu.vector_store %arg6[%parallel_loop3A_209, %parallel_loop3A_210], %parallel_loop3A_208 {strides = array<i32>} : memref<128x64xf32, #tpu.memory_space<vmem>>, vector<16xf32>,
        %parallel_loop3A_212 = arith.mulf %parallel_loop3A_182, %parallel_loop3A_203 : vector<16xf32>
        %parallel_loop3A_213 = arith.index_cast %parallel_loop3A_48 : i32 to index
        %parallel_loop3A_214 = arith.constant 32 : index
        %parallel_loop3A_215 = tpu.vector_load %arg6[%parallel_loop3A_213, %parallel_loop3A_214] {strides = array<i32>} : memref<128x64xf32, #tpu.memory_space<vmem>>, vector<16xf32>,
        tpu.vector_store %arg6[%parallel_loop3A_213, %parallel_loop3A_214], %parallel_loop3A_212 {strides = array<i32>} : memref<128x64xf32, #tpu.memory_space<vmem>>, vector<16xf32>,
        %parallel_loop3A_216 = arith.mulf %parallel_loop3A_184, %parallel_loop3A_203 : vector<16xf32>
        %parallel_loop3A_217 = arith.index_cast %parallel_loop3A_48 : i32 to index
        %parallel_loop3A_218 = arith.constant 48 : index
        %parallel_loop3A_219 = tpu.vector_load %arg6[%parallel_loop3A_217, %parallel_loop3A_218] {strides = array<i32>} : memref<128x64xf32, #tpu.memory_space<vmem>>, vector<16xf32>,
        tpu.vector_store %arg6[%parallel_loop3A_217, %parallel_loop3A_218], %parallel_loop3A_216 {strides = array<i32>} : memref<128x64xf32, #tpu.memory_space<vmem>>, vector<16xf32>,
        %parallel_loop3A_220 = arith.subf %parallel_loop3A_165, %parallel_loop3A_176 : vector<16xf32>
        %parallel_loop3A_221 = math.exp %parallel_loop3A_220 : vector<16xf32>
        %parallel_loop3A_222 = arith.constant 0.000000e+00 : f32
        %parallel_loop3A_223 = vector.broadcast %parallel_loop3A_222 : f32 to vector<16xf32>
        %parallel_loop3A_224 = arith.select %lt3A_2, %parallel_loop3A_221, %parallel_loop3A_223 : vector<16xi1>, vector<16xf32>
        %parallel_loop3A_225 = arith.constant true
        %parallel_loop3A_226 = vector.broadcast %parallel_loop3A_225 : i1 to vector<16xi1>
        %parallel_loop3A_227 = tpu.scan <sum>, %parallel_loop3A_224 masked %parallel_loop3A_226 : vector<16xf32>, vector<16xi1> -> vector<16xf32>
        %parallel_loop3A_228 = arith.constant 0 : i32
        %parallel_loop3A_229 = vector.broadcast %parallel_loop3A_228 : i32 to vector<16xi32>
        %parallel_loop3A_230 = arith.cmpi slt, %broadcast_in_dim3A_10, %parallel_loop3A_229 : vector<16xi32>
        %parallel_loop3A_231 = arith.constant 16 : i32
        %parallel_loop3A_232 = vector.broadcast %parallel_loop3A_231 : i32 to vector<16xi32>
        %parallel_loop3A_233 = arith.addi %broadcast_in_dim3A_10, %parallel_loop3A_232 : vector<16xi32>
        %parallel_loop3A_234 = arith.select %parallel_loop3A_230, %parallel_loop3A_233, %broadcast_in_dim3A_10 : vector<16xi1>, vector<16xi32>
        %parallel_loop3A_235 = vector.shape_cast %parallel_loop3A_234 : vector<16xi32> to vector<16x1xi32>
        %parallel_loop3A_236 = vector.shape_cast %parallel_loop3A_235 : vector<16x1xi32> to vector<16xi32>
        %parallel_loop3A_237 = tpu.dynamic_gather %parallel_loop3A_227[%parallel_loop3A_236] in [0] : vector<16xf32>, vector<16xi32> -> vector<16xf32>
        %parallel_loop3A_238 = arith.constant 1.000000e+00 : f32
        %parallel_loop3A_239 = vector.broadcast %parallel_loop3A_238 : f32 to vector<16xf32>
        %parallel_loop3A_240 = arith.divf %parallel_loop3A_239, %parallel_loop3A_237 : vector<16xf32>
        %parallel_loop3A_241 = vector.broadcast %parallel_loop3A_48 : i32 to vector<16xi32>
        %parallel_loop3A_242 = arith.addi %broadcast_in_dim3A_8, %parallel_loop3A_241 : vector<16xi32>
        tpu.vector_store_idx %arg8[%parallel_loop3A_242, %iota3A], %parallel_loop3A_166 masked %lt3A_2 : memref<128x8xi32, #tpu.memory_space<vmem>>[vector<16xi32>, vector<16xi32>], vector<16xi32>, vector<16xi1>
        %parallel_loop3A_243 = arith.mulf %parallel_loop3A_221, %parallel_loop3A_240 : vector<16xf32>
        tpu.vector_store_idx %arg9[%parallel_loop3A_242, %iota3A], %parallel_loop3A_243 masked %lt3A_2 : memref<128x8xf32, #tpu.memory_space<vmem>>[vector<16xi32>, vector<16xi32>], vector<16xf32>, vector<16xi1>
      } {sc.loop_unroll_factor = 2 : i64, sc.parallel_access}
      "tpu.region"() ({
        %run_scoped3A = tpu.sem_alloc : memref<!tpu.dma_semaphore, #tpu.memory_space<semaphore_mem>>
        %dma_start3A_48 = arith.constant 0 : i32
        %dma_start3A_49 = tpu.memref_slice %arg4[%add3A_24, %dma_start3A_48] : memref<32768x64xf32, #tpu.memory_space<hbm>> -> memref<128x64xf32, #tpu.memory_space<hbm>>
        %dma_start3A_50 = arith.constant 0 : i32
        %dma_start3A_51 = tpu.memref_slice %arg4[%add3A_24, %dma_start3A_50] : memref<32768x64xf32, #tpu.memory_space<hbm>> -> memref<128x64xf32, #tpu.memory_space<hbm>>
        tpu.enqueue_dma source(%arg6 : memref<128x64xf32, #tpu.memory_space<vmem>>) target(%dma_start3A_51 : memref<128x64xf32, #tpu.memory_space<hbm>>) target_semaphore(%run_scoped3A : memref<!tpu.dma_semaphore, #tpu.memory_space<semaphore_mem>>)
        %dma_wait3A_52 = arith.constant 0 : i32
        %dma_wait3A_53 = tpu.memref_slice %arg4[%add3A_24, %dma_wait3A_52] : memref<32768x64xf32, #tpu.memory_space<hbm>> -> memref<128x64xf32, #tpu.memory_space<hbm>>
        %dma_wait3A_54 = arith.constant 0 : i32
        %dma_wait3A_55 = tpu.memref_slice %arg4[%add3A_24, %dma_wait3A_54] : memref<32768x64xf32, #tpu.memory_space<hbm>> -> memref<128x64xf32, #tpu.memory_space<hbm>>
        tpu.wait_dma2 semaphore(%run_scoped3A : memref<!tpu.dma_semaphore, #tpu.memory_space<semaphore_mem>>) src(%arg6 : memref<128x64xf32, #tpu.memory_space<vmem>>) dst(%dma_wait3A_55 : memref<128x64xf32, #tpu.memory_space<hbm>>)
        tpu.yield
      }) : () -> ()
      "tpu.region"() ({
        %run_scoped3A = tpu.sem_alloc : memref<!tpu.dma_semaphore, #tpu.memory_space<semaphore_mem>>
        %dma_start3A_48 = arith.constant 0 : i32
        %dma_start3A_49 = tpu.memref_slice %arg3[%add3A_24, %dma_start3A_48] : memref<32768x8xi32, #tpu.memory_space<hbm>> -> memref<128x8xi32, #tpu.memory_space<hbm>>
        %dma_start3A_50 = arith.constant 0 : i32
        %dma_start3A_51 = tpu.memref_slice %arg3[%add3A_24, %dma_start3A_50] : memref<32768x8xi32, #tpu.memory_space<hbm>> -> memref<128x8xi32, #tpu.memory_space<hbm>>
        tpu.enqueue_dma source(%arg8 : memref<128x8xi32, #tpu.memory_space<vmem>>) target(%dma_start3A_51 : memref<128x8xi32, #tpu.memory_space<hbm>>) target_semaphore(%run_scoped3A : memref<!tpu.dma_semaphore, #tpu.memory_space<semaphore_mem>>)
        %dma_wait3A_52 = arith.constant 0 : i32
        %dma_wait3A_53 = tpu.memref_slice %arg3[%add3A_24, %dma_wait3A_52] : memref<32768x8xi32, #tpu.memory_space<hbm>> -> memref<128x8xi32, #tpu.memory_space<hbm>>
        %dma_wait3A_54 = arith.constant 0 : i32
        %dma_wait3A_55 = tpu.memref_slice %arg3[%add3A_24, %dma_wait3A_54] : memref<32768x8xi32, #tpu.memory_space<hbm>> -> memref<128x8xi32, #tpu.memory_space<hbm>>
        tpu.wait_dma2 semaphore(%run_scoped3A : memref<!tpu.dma_semaphore, #tpu.memory_space<semaphore_mem>>) src(%arg8 : memref<128x8xi32, #tpu.memory_space<vmem>>) dst(%dma_wait3A_55 : memref<128x8xi32, #tpu.memory_space<hbm>>)
        tpu.yield
      }) : () -> ()
      "tpu.region"() ({
        %run_scoped3A = tpu.sem_alloc : memref<!tpu.dma_semaphore, #tpu.memory_space<semaphore_mem>>
        %dma_start3A_48 = arith.constant 0 : i32
        %dma_start3A_49 = tpu.memref_slice %arg5[%add3A_24, %dma_start3A_48] : memref<32768x8xf32, #tpu.memory_space<hbm>> -> memref<128x8xf32, #tpu.memory_space<hbm>>
        %dma_start3A_50 = arith.constant 0 : i32
        %dma_start3A_51 = tpu.memref_slice %arg5[%add3A_24, %dma_start3A_50] : memref<32768x8xf32, #tpu.memory_space<hbm>> -> memref<128x8xf32, #tpu.memory_space<hbm>>
        tpu.enqueue_dma source(%arg9 : memref<128x8xf32, #tpu.memory_space<vmem>>) target(%dma_start3A_51 : memref<128x8xf32, #tpu.memory_space<hbm>>) target_semaphore(%run_scoped3A : memref<!tpu.dma_semaphore, #tpu.memory_space<semaphore_mem>>)
        %dma_wait3A_52 = arith.constant 0 : i32
        %dma_wait3A_53 = tpu.memref_slice %arg5[%add3A_24, %dma_wait3A_52] : memref<32768x8xf32, #tpu.memory_space<hbm>> -> memref<128x8xf32, #tpu.memory_space<hbm>>
        %dma_wait3A_54 = arith.constant 0 : i32
        %dma_wait3A_55 = tpu.memref_slice %arg5[%add3A_24, %dma_wait3A_54] : memref<32768x8xf32, #tpu.memory_space<hbm>> -> memref<128x8xf32, #tpu.memory_space<hbm>>
        tpu.wait_dma2 semaphore(%run_scoped3A : memref<!tpu.dma_semaphore, #tpu.memory_space<semaphore_mem>>) src(%arg9 : memref<128x8xf32, #tpu.memory_space<vmem>>) dst(%dma_wait3A_55 : memref<128x8xf32, #tpu.memory_space<hbm>>)
        tpu.yield
      }) : () -> ()
      %lt3A_36 = arith.constant 3 : i32
      %lt3A_37 = arith.cmpi slt, %scan3A_21, %lt3A_36 : i32
      %convert_element_type3A = arith.extui %lt3A_37 : i1 to i32
      %cond3A = arith.constant 0 : i32
      %cond3A_38 = arith.cmpi ne, %convert_element_type3A, %cond3A : i32
      scf.if %cond3A_38 {
        %add3A_48 = arith.constant 256 : i32
        %add3A_49 = arith.addi %add3A_24, %add3A_48 : i32
        %dma_start3A_50 = arith.constant 0 : i32
        %dma_start3A_51 = tpu.memref_slice %arg2[%add3A_49, %dma_start3A_50] : memref<32768x64xf32, #tpu.memory_space<hbm>> -> memref<128x64xf32, #tpu.memory_space<hbm>>
        %dma_start3A_52 = arith.constant 0 : i32
        %dma_start3A_53 = tpu.memref_slice %arg2[%add3A_49, %dma_start3A_52] : memref<32768x64xf32, #tpu.memory_space<hbm>> -> memref<128x64xf32, #tpu.memory_space<hbm>>
        tpu.enqueue_dma source(%dma_start3A_53 : memref<128x64xf32, #tpu.memory_space<hbm>>) target(%arg6 : memref<128x64xf32, #tpu.memory_space<vmem>>) target_semaphore(%arg10 : memref<!tpu.dma_semaphore, #tpu.memory_space<semaphore_mem>>)
      } else {
      }
      %dma_wait3A_39 = arith.constant 0 : i32
      %dma_wait3A_40 = tpu.memref_slice %arg2[%add3A_29, %dma_wait3A_39] : memref<32768x64xf32, #tpu.memory_space<hbm>> -> memref<128x64xf32, #tpu.memory_space<hbm>>
      %dma_wait3A_41 = arith.constant 0 : i32
      %dma_wait3A_42 = tpu.memref_slice %arg2[%add3A_29, %dma_wait3A_41] : memref<32768x64xf32, #tpu.memory_space<hbm>> -> memref<128x64xf32, #tpu.memory_space<hbm>>
      tpu.wait_dma2 semaphore(%arg11 : memref<!tpu.dma_semaphore, #tpu.memory_space<semaphore_mem>>) src(%dma_wait3A_42 : memref<128x64xf32, #tpu.memory_space<hbm>>) dst(%arg7 : memref<128x64xf32, #tpu.memory_space<vmem>>)
      %add3A_43 = arith.constant 128 : i32
      %add3A_44 = arith.addi %add3A_24, %add3A_43 : i32
      %parallel_loop3A_45 = arith.constant 0 : i32
      %parallel_loop3A_46 = arith.constant 128 : i32
      %parallel_loop3A_47 = arith.constant 1 : i32
      scf.for %parallel_loop3A_48 = %parallel_loop3A_45 to %parallel_loop3A_46 step %parallel_loop3A_47  : i32 {
        %parallel_loop3A_49 = arith.index_cast %parallel_loop3A_48 : i32 to index
        %parallel_loop3A_50 = arith.constant 0 : index
        %parallel_loop3A_51 = tpu.vector_load %arg7[%parallel_loop3A_49, %parallel_loop3A_50] {strides = array<i32>} : memref<128x64xf32, #tpu.memory_space<vmem>>, vector<16xf32>,
        %parallel_loop3A_52 = arith.constant 0 : i32
        %parallel_loop3A_53 = vector.broadcast %parallel_loop3A_52 : i32 to vector<16xi32>
        %parallel_loop3A_54 = arith.addi %iota3A, %parallel_loop3A_53 : vector<16xi32>
        %parallel_loop3A_55 = arith.constant dense<true> : vector<16xi1>
        %parallel_loop3A_56, %parallel_loop3A_57, %parallel_loop3A_58 = tpu.sort %parallel_loop3A_51, %parallel_loop3A_54 masked %parallel_loop3A_55 {descending = true} : (vector<16xf32>, vector<16xi32>, vector<16xi1>) -> (vector<16xi1>, vector<16xf32>, vector<16xi32>)
        %parallel_loop3A_59 = arith.index_cast %parallel_loop3A_48 : i32 to index
        %parallel_loop3A_60 = arith.constant 16 : index
        %parallel_loop3A_61 = tpu.vector_load %arg7[%parallel_loop3A_59, %parallel_loop3A_60] {strides = array<i32>} : memref<128x64xf32, #tpu.memory_space<vmem>>, vector<16xf32>,
        %parallel_loop3A_62 = arith.constant 16 : i32
        %parallel_loop3A_63 = vector.broadcast %parallel_loop3A_62 : i32 to vector<16xi32>
        %parallel_loop3A_64 = arith.addi %iota3A, %parallel_loop3A_63 : vector<16xi32>
        %parallel_loop3A_65 = arith.constant dense<true> : vector<16xi1>
        %parallel_loop3A_66, %parallel_loop3A_67, %parallel_loop3A_68 = tpu.sort %parallel_loop3A_61, %parallel_loop3A_64 masked %parallel_loop3A_65 {descending = true} : (vector<16xf32>, vector<16xi32>, vector<16xi1>) -> (vector<16xi1>, vector<16xf32>, vector<16xi32>)
        %parallel_loop3A_69 = arith.index_cast %parallel_loop3A_48 : i32 to index
        %parallel_loop3A_70 = arith.constant 32 : index
        %parallel_loop3A_71 = tpu.vector_load %arg7[%parallel_loop3A_69, %parallel_loop3A_70] {strides = array<i32>} : memref<128x64xf32, #tpu.memory_space<vmem>>, vector<16xf32>,
        %parallel_loop3A_72 = arith.constant 32 : i32
        %parallel_loop3A_73 = vector.broadcast %parallel_loop3A_72 : i32 to vector<16xi32>
        %parallel_loop3A_74 = arith.addi %iota3A, %parallel_loop3A_73 : vector<16xi32>
        %parallel_loop3A_75 = arith.constant dense<true> : vector<16xi1>
        %parallel_loop3A_76, %parallel_loop3A_77, %parallel_loop3A_78 = tpu.sort %parallel_loop3A_71, %parallel_loop3A_74 masked %parallel_loop3A_75 {descending = true} : (vector<16xf32>, vector<16xi32>, vector<16xi1>) -> (vector<16xi1>, vector<16xf32>, vector<16xi32>)
        %parallel_loop3A_79 = arith.index_cast %parallel_loop3A_48 : i32 to index
        %parallel_loop3A_80 = arith.constant 48 : index
        %parallel_loop3A_81 = tpu.vector_load %arg7[%parallel_loop3A_79, %parallel_loop3A_80] {strides = array<i32>} : memref<128x64xf32, #tpu.memory_space<vmem>>, vector<16xf32>,
        %parallel_loop3A_82 = arith.constant 48 : i32
        %parallel_loop3A_83 = vector.broadcast %parallel_loop3A_82 : i32 to vector<16xi32>
        %parallel_loop3A_84 = arith.addi %iota3A, %parallel_loop3A_83 : vector<16xi32>
        %parallel_loop3A_85 = arith.constant dense<true> : vector<16xi1>
        %parallel_loop3A_86, %parallel_loop3A_87, %parallel_loop3A_88 = tpu.sort %parallel_loop3A_81, %parallel_loop3A_84 masked %parallel_loop3A_85 {descending = true} : (vector<16xf32>, vector<16xi32>, vector<16xi1>) -> (vector<16xi1>, vector<16xf32>, vector<16xi32>)
        %parallel_loop3A_89 = arith.constant 0 : i32
        %parallel_loop3A_90 = vector.broadcast %parallel_loop3A_89 : i32 to vector<16xi32>
        %parallel_loop3A_91 = arith.cmpi slt, %and3A_7, %parallel_loop3A_90 : vector<16xi32>
        %parallel_loop3A_92 = arith.constant 16 : i32
        %parallel_loop3A_93 = vector.broadcast %parallel_loop3A_92 : i32 to vector<16xi32>
        %parallel_loop3A_94 = arith.addi %and3A_7, %parallel_loop3A_93 : vector<16xi32>
        %parallel_loop3A_95 = arith.select %parallel_loop3A_91, %parallel_loop3A_94, %and3A_7 : vector<16xi1>, vector<16xi32>
        %parallel_loop3A_96 = vector.shape_cast %parallel_loop3A_95 : vector<16xi32> to vector<16x1xi32>
        %parallel_loop3A_97 = vector.shape_cast %parallel_loop3A_96 : vector<16x1xi32> to vector<16xi32>
        %parallel_loop3A_98 = tpu.dynamic_gather %parallel_loop3A_67[%parallel_loop3A_97] in [0] : vector<16xf32>, vector<16xi32> -> vector<16xf32>
        %parallel_loop3A_99 = arith.constant 0 : i32
        %parallel_loop3A_100 = vector.broadcast %parallel_loop3A_99 : i32 to vector<16xi32>
        %parallel_loop3A_101 = arith.cmpi slt, %and3A_7, %parallel_loop3A_100 : vector<16xi32>
        %parallel_loop3A_102 = arith.constant 16 : i32
        %parallel_loop3A_103 = vector.broadcast %parallel_loop3A_102 : i32 to vector<16xi32>
        %parallel_loop3A_104 = arith.addi %and3A_7, %parallel_loop3A_103 : vector<16xi32>
        %parallel_loop3A_105 = arith.select %parallel_loop3A_101, %parallel_loop3A_104, %and3A_7 : vector<16xi1>, vector<16xi32>
        %parallel_loop3A_106 = vector.shape_cast %parallel_loop3A_105 : vector<16xi32> to vector<16x1xi32>
        %parallel_loop3A_107 = vector.shape_cast %parallel_loop3A_106 : vector<16x1xi32> to vector<16xi32>
        %parallel_loop3A_108 = tpu.dynamic_gather %parallel_loop3A_68[%parallel_loop3A_107] in [0] : vector<16xi32>, vector<16xi32> -> vector<16xi32>
        %parallel_loop3A_109 = arith.select %lt3A_2, %parallel_loop3A_57, %parallel_loop3A_98 : vector<16xi1>, vector<16xf32>
        %parallel_loop3A_110 = arith.select %lt3A_2, %parallel_loop3A_58, %parallel_loop3A_108 : vector<16xi1>, vector<16xi32>
        %parallel_loop3A_111 = arith.constant dense<true> : vector<16xi1>
        %parallel_loop3A_112, %parallel_loop3A_113, %parallel_loop3A_114 = tpu.sort %parallel_loop3A_109, %parallel_loop3A_110 masked %parallel_loop3A_111 {descending = true} : (vector<16xf32>, vector<16xi32>, vector<16xi1>) -> (vector<16xi1>, vector<16xf32>, vector<16xi32>)
        %parallel_loop3A_115 = arith.constant 0 : i32
        %parallel_loop3A_116 = vector.broadcast %parallel_loop3A_115 : i32 to vector<16xi32>
        %parallel_loop3A_117 = arith.cmpi slt, %and3A_7, %parallel_loop3A_116 : vector<16xi32>
        %parallel_loop3A_118 = arith.constant 16 : i32
        %parallel_loop3A_119 = vector.broadcast %parallel_loop3A_118 : i32 to vector<16xi32>
        %parallel_loop3A_120 = arith.addi %and3A_7, %parallel_loop3A_119 : vector<16xi32>
        %parallel_loop3A_121 = arith.select %parallel_loop3A_117, %parallel_loop3A_120, %and3A_7 : vector<16xi1>, vector<16xi32>
        %parallel_loop3A_122 = vector.shape_cast %parallel_loop3A_121 : vector<16xi32> to vector<16x1xi32>
        %parallel_loop3A_123 = vector.shape_cast %parallel_loop3A_122 : vector<16x1xi32> to vector<16xi32>
        %parallel_loop3A_124 = tpu.dynamic_gather %parallel_loop3A_87[%parallel_loop3A_123] in [0] : vector<16xf32>, vector<16xi32> -> vector<16xf32>
        %parallel_loop3A_125 = arith.constant 0 : i32
        %parallel_loop3A_126 = vector.broadcast %parallel_loop3A_125 : i32 to vector<16xi32>
        %parallel_loop3A_127 = arith.cmpi slt, %and3A_7, %parallel_loop3A_126 : vector<16xi32>
        %parallel_loop3A_128 = arith.constant 16 : i32
        %parallel_loop3A_129 = vector.broadcast %parallel_loop3A_128 : i32 to vector<16xi32>
        %parallel_loop3A_130 = arith.addi %and3A_7, %parallel_loop3A_129 : vector<16xi32>
        %parallel_loop3A_131 = arith.select %parallel_loop3A_127, %parallel_loop3A_130, %and3A_7 : vector<16xi1>, vector<16xi32>
        %parallel_loop3A_132 = vector.shape_cast %parallel_loop3A_131 : vector<16xi32> to vector<16x1xi32>
        %parallel_loop3A_133 = vector.shape_cast %parallel_loop3A_132 : vector<16x1xi32> to vector<16xi32>
        %parallel_loop3A_134 = tpu.dynamic_gather %parallel_loop3A_88[%parallel_loop3A_133] in [0] : vector<16xi32>, vector<16xi32> -> vector<16xi32>
        %parallel_loop3A_135 = arith.select %lt3A_2, %parallel_loop3A_77, %parallel_loop3A_124 : vector<16xi1>, vector<16xf32>
        %parallel_loop3A_136 = arith.select %lt3A_2, %parallel_loop3A_78, %parallel_loop3A_134 : vector<16xi1>, vector<16xi32>
        %parallel_loop3A_137 = arith.constant dense<true> : vector<16xi1>
        %parallel_loop3A_138, %parallel_loop3A_139, %parallel_loop3A_140 = tpu.sort %parallel_loop3A_135, %parallel_loop3A_136 masked %parallel_loop3A_137 {descending = true} : (vector<16xf32>, vector<16xi32>, vector<16xi1>) -> (vector<16xi1>, vector<16xf32>, vector<16xi32>)
        %parallel_loop3A_141 = arith.constant 0 : i32
        %parallel_loop3A_142 = vector.broadcast %parallel_loop3A_141 : i32 to vector<16xi32>
        %parallel_loop3A_143 = arith.cmpi slt, %and3A_7, %parallel_loop3A_142 : vector<16xi32>
        %parallel_loop3A_144 = arith.constant 16 : i32
        %parallel_loop3A_145 = vector.broadcast %parallel_loop3A_144 : i32 to vector<16xi32>
        %parallel_loop3A_146 = arith.addi %and3A_7, %parallel_loop3A_145 : vector<16xi32>
        %parallel_loop3A_147 = arith.select %parallel_loop3A_143, %parallel_loop3A_146, %and3A_7 : vector<16xi1>, vector<16xi32>
        %parallel_loop3A_148 = vector.shape_cast %parallel_loop3A_147 : vector<16xi32> to vector<16x1xi32>
        %parallel_loop3A_149 = vector.shape_cast %parallel_loop3A_148 : vector<16x1xi32> to vector<16xi32>
        %parallel_loop3A_150 = tpu.dynamic_gather %parallel_loop3A_139[%parallel_loop3A_149] in [0] : vector<16xf32>, vector<16xi32> -> vector<16xf32>
        %parallel_loop3A_151 = arith.constant 0 : i32
        %parallel_loop3A_152 = vector.broadcast %parallel_loop3A_151 : i32 to vector<16xi32>
        %parallel_loop3A_153 = arith.cmpi slt, %and3A_7, %parallel_loop3A_152 : vector<16xi32>
        %parallel_loop3A_154 = arith.constant 16 : i32
        %parallel_loop3A_155 = vector.broadcast %parallel_loop3A_154 : i32 to vector<16xi32>
        %parallel_loop3A_156 = arith.addi %and3A_7, %parallel_loop3A_155 : vector<16xi32>
        %parallel_loop3A_157 = arith.select %parallel_loop3A_153, %parallel_loop3A_156, %and3A_7 : vector<16xi1>, vector<16xi32>
        %parallel_loop3A_158 = vector.shape_cast %parallel_loop3A_157 : vector<16xi32> to vector<16x1xi32>
        %parallel_loop3A_159 = vector.shape_cast %parallel_loop3A_158 : vector<16x1xi32> to vector<16xi32>
        %parallel_loop3A_160 = tpu.dynamic_gather %parallel_loop3A_140[%parallel_loop3A_159] in [0] : vector<16xi32>, vector<16xi32> -> vector<16xi32>
        %parallel_loop3A_161 = arith.select %lt3A_2, %parallel_loop3A_113, %parallel_loop3A_150 : vector<16xi1>, vector<16xf32>
        %parallel_loop3A_162 = arith.select %lt3A_2, %parallel_loop3A_114, %parallel_loop3A_160 : vector<16xi1>, vector<16xi32>
        %parallel_loop3A_163 = arith.constant dense<true> : vector<16xi1>
        %parallel_loop3A_164, %parallel_loop3A_165, %parallel_loop3A_166 = tpu.sort %parallel_loop3A_161, %parallel_loop3A_162 masked %parallel_loop3A_163 {descending = true} : (vector<16xf32>, vector<16xi32>, vector<16xi1>) -> (vector<16xi1>, vector<16xf32>, vector<16xi32>)
        %parallel_loop3A_167 = arith.constant 0 : i32
        %parallel_loop3A_168 = vector.broadcast %parallel_loop3A_167 : i32 to vector<16xi32>
        %parallel_loop3A_169 = arith.cmpi slt, %broadcast_in_dim3A_8, %parallel_loop3A_168 : vector<16xi32>
        %parallel_loop3A_170 = arith.constant 16 : i32
        %parallel_loop3A_171 = vector.broadcast %parallel_loop3A_170 : i32 to vector<16xi32>
        %parallel_loop3A_172 = arith.addi %broadcast_in_dim3A_8, %parallel_loop3A_171 : vector<16xi32>
        %parallel_loop3A_173 = arith.select %parallel_loop3A_169, %parallel_loop3A_172, %broadcast_in_dim3A_8 : vector<16xi1>, vector<16xi32>
        %parallel_loop3A_174 = vector.shape_cast %parallel_loop3A_173 : vector<16xi32> to vector<16x1xi32>
        %parallel_loop3A_175 = vector.shape_cast %parallel_loop3A_174 : vector<16x1xi32> to vector<16xi32>
        %parallel_loop3A_176 = tpu.dynamic_gather %parallel_loop3A_165[%parallel_loop3A_175] in [0] : vector<16xf32>, vector<16xi32> -> vector<16xf32>
        %parallel_loop3A_177 = arith.subf %parallel_loop3A_51, %parallel_loop3A_176 : vector<16xf32>
        %parallel_loop3A_178 = math.exp %parallel_loop3A_177 : vector<16xf32>
        %parallel_loop3A_179 = arith.subf %parallel_loop3A_61, %parallel_loop3A_176 : vector<16xf32>
        %parallel_loop3A_180 = math.exp %parallel_loop3A_179 : vector<16xf32>
        %parallel_loop3A_181 = arith.subf %parallel_loop3A_71, %parallel_loop3A_176 : vector<16xf32>
        %parallel_loop3A_182 = math.exp %parallel_loop3A_181 : vector<16xf32>
        %parallel_loop3A_183 = arith.subf %parallel_loop3A_81, %parallel_loop3A_176 : vector<16xf32>
        %parallel_loop3A_184 = math.exp %parallel_loop3A_183 : vector<16xf32>
        %parallel_loop3A_185 = arith.addf %parallel_loop3A_178, %parallel_loop3A_180 : vector<16xf32>
        %parallel_loop3A_186 = arith.addf %parallel_loop3A_185, %parallel_loop3A_182 : vector<16xf32>
        %parallel_loop3A_187 = arith.addf %parallel_loop3A_186, %parallel_loop3A_184 : vector<16xf32>
        %parallel_loop3A_188 = arith.constant true
        %parallel_loop3A_189 = vector.broadcast %parallel_loop3A_188 : i1 to vector<16xi1>
        %parallel_loop3A_190 = tpu.scan <sum>, %parallel_loop3A_187 masked %parallel_loop3A_189 : vector<16xf32>, vector<16xi1> -> vector<16xf32>
        %parallel_loop3A_191 = arith.constant 0 : i32
        %parallel_loop3A_192 = vector.broadcast %parallel_loop3A_191 : i32 to vector<16xi32>
        %parallel_loop3A_193 = arith.cmpi slt, %broadcast_in_dim3A_10, %parallel_loop3A_192 : vector<16xi32>
        %parallel_loop3A_194 = arith.constant 16 : i32
        %parallel_loop3A_195 = vector.broadcast %parallel_loop3A_194 : i32 to vector<16xi32>
        %parallel_loop3A_196 = arith.addi %broadcast_in_dim3A_10, %parallel_loop3A_195 : vector<16xi32>
        %parallel_loop3A_197 = arith.select %parallel_loop3A_193, %parallel_loop3A_196, %broadcast_in_dim3A_10 : vector<16xi1>, vector<16xi32>
        %parallel_loop3A_198 = vector.shape_cast %parallel_loop3A_197 : vector<16xi32> to vector<16x1xi32>
        %parallel_loop3A_199 = vector.shape_cast %parallel_loop3A_198 : vector<16x1xi32> to vector<16xi32>
        %parallel_loop3A_200 = tpu.dynamic_gather %parallel_loop3A_190[%parallel_loop3A_199] in [0] : vector<16xf32>, vector<16xi32> -> vector<16xf32>
        %parallel_loop3A_201 = arith.constant 1.000000e+00 : f32
        %parallel_loop3A_202 = vector.broadcast %parallel_loop3A_201 : f32 to vector<16xf32>
        %parallel_loop3A_203 = arith.divf %parallel_loop3A_202, %parallel_loop3A_200 : vector<16xf32>
        %parallel_loop3A_204 = arith.mulf %parallel_loop3A_178, %parallel_loop3A_203 : vector<16xf32>
        %parallel_loop3A_205 = arith.index_cast %parallel_loop3A_48 : i32 to index
        %parallel_loop3A_206 = arith.constant 0 : index
        %parallel_loop3A_207 = tpu.vector_load %arg7[%parallel_loop3A_205, %parallel_loop3A_206] {strides = array<i32>} : memref<128x64xf32, #tpu.memory_space<vmem>>, vector<16xf32>,
        tpu.vector_store %arg7[%parallel_loop3A_205, %parallel_loop3A_206], %parallel_loop3A_204 {strides = array<i32>} : memref<128x64xf32, #tpu.memory_space<vmem>>, vector<16xf32>,
        %parallel_loop3A_208 = arith.mulf %parallel_loop3A_180, %parallel_loop3A_203 : vector<16xf32>
        %parallel_loop3A_209 = arith.index_cast %parallel_loop3A_48 : i32 to index
        %parallel_loop3A_210 = arith.constant 16 : index
        %parallel_loop3A_211 = tpu.vector_load %arg7[%parallel_loop3A_209, %parallel_loop3A_210] {strides = array<i32>} : memref<128x64xf32, #tpu.memory_space<vmem>>, vector<16xf32>,
        tpu.vector_store %arg7[%parallel_loop3A_209, %parallel_loop3A_210], %parallel_loop3A_208 {strides = array<i32>} : memref<128x64xf32, #tpu.memory_space<vmem>>, vector<16xf32>,
        %parallel_loop3A_212 = arith.mulf %parallel_loop3A_182, %parallel_loop3A_203 : vector<16xf32>
        %parallel_loop3A_213 = arith.index_cast %parallel_loop3A_48 : i32 to index
        %parallel_loop3A_214 = arith.constant 32 : index
        %parallel_loop3A_215 = tpu.vector_load %arg7[%parallel_loop3A_213, %parallel_loop3A_214] {strides = array<i32>} : memref<128x64xf32, #tpu.memory_space<vmem>>, vector<16xf32>,
        tpu.vector_store %arg7[%parallel_loop3A_213, %parallel_loop3A_214], %parallel_loop3A_212 {strides = array<i32>} : memref<128x64xf32, #tpu.memory_space<vmem>>, vector<16xf32>,
        %parallel_loop3A_216 = arith.mulf %parallel_loop3A_184, %parallel_loop3A_203 : vector<16xf32>
        %parallel_loop3A_217 = arith.index_cast %parallel_loop3A_48 : i32 to index
        %parallel_loop3A_218 = arith.constant 48 : index
        %parallel_loop3A_219 = tpu.vector_load %arg7[%parallel_loop3A_217, %parallel_loop3A_218] {strides = array<i32>} : memref<128x64xf32, #tpu.memory_space<vmem>>, vector<16xf32>,
        tpu.vector_store %arg7[%parallel_loop3A_217, %parallel_loop3A_218], %parallel_loop3A_216 {strides = array<i32>} : memref<128x64xf32, #tpu.memory_space<vmem>>, vector<16xf32>,
        %parallel_loop3A_220 = arith.subf %parallel_loop3A_165, %parallel_loop3A_176 : vector<16xf32>
        %parallel_loop3A_221 = math.exp %parallel_loop3A_220 : vector<16xf32>
        %parallel_loop3A_222 = arith.constant 0.000000e+00 : f32
        %parallel_loop3A_223 = vector.broadcast %parallel_loop3A_222 : f32 to vector<16xf32>
        %parallel_loop3A_224 = arith.select %lt3A_2, %parallel_loop3A_221, %parallel_loop3A_223 : vector<16xi1>, vector<16xf32>
        %parallel_loop3A_225 = arith.constant true
        %parallel_loop3A_226 = vector.broadcast %parallel_loop3A_225 : i1 to vector<16xi1>
        %parallel_loop3A_227 = tpu.scan <sum>, %parallel_loop3A_224 masked %parallel_loop3A_226 : vector<16xf32>, vector<16xi1> -> vector<16xf32>
        %parallel_loop3A_228 = arith.constant 0 : i32
        %parallel_loop3A_229 = vector.broadcast %parallel_loop3A_228 : i32 to vector<16xi32>
        %parallel_loop3A_230 = arith.cmpi slt, %broadcast_in_dim3A_10, %parallel_loop3A_229 : vector<16xi32>
        %parallel_loop3A_231 = arith.constant 16 : i32
        %parallel_loop3A_232 = vector.broadcast %parallel_loop3A_231 : i32 to vector<16xi32>
        %parallel_loop3A_233 = arith.addi %broadcast_in_dim3A_10, %parallel_loop3A_232 : vector<16xi32>
        %parallel_loop3A_234 = arith.select %parallel_loop3A_230, %parallel_loop3A_233, %broadcast_in_dim3A_10 : vector<16xi1>, vector<16xi32>
        %parallel_loop3A_235 = vector.shape_cast %parallel_loop3A_234 : vector<16xi32> to vector<16x1xi32>
        %parallel_loop3A_236 = vector.shape_cast %parallel_loop3A_235 : vector<16x1xi32> to vector<16xi32>
        %parallel_loop3A_237 = tpu.dynamic_gather %parallel_loop3A_227[%parallel_loop3A_236] in [0] : vector<16xf32>, vector<16xi32> -> vector<16xf32>
        %parallel_loop3A_238 = arith.constant 1.000000e+00 : f32
        %parallel_loop3A_239 = vector.broadcast %parallel_loop3A_238 : f32 to vector<16xf32>
        %parallel_loop3A_240 = arith.divf %parallel_loop3A_239, %parallel_loop3A_237 : vector<16xf32>
        %parallel_loop3A_241 = vector.broadcast %parallel_loop3A_48 : i32 to vector<16xi32>
        %parallel_loop3A_242 = arith.addi %broadcast_in_dim3A_8, %parallel_loop3A_241 : vector<16xi32>
        tpu.vector_store_idx %arg8[%parallel_loop3A_242, %iota3A], %parallel_loop3A_166 masked %lt3A_2 : memref<128x8xi32, #tpu.memory_space<vmem>>[vector<16xi32>, vector<16xi32>], vector<16xi32>, vector<16xi1>
        %parallel_loop3A_243 = arith.mulf %parallel_loop3A_221, %parallel_loop3A_240 : vector<16xf32>
        tpu.vector_store_idx %arg9[%parallel_loop3A_242, %iota3A], %parallel_loop3A_243 masked %lt3A_2 : memref<128x8xf32, #tpu.memory_space<vmem>>[vector<16xi32>, vector<16xi32>], vector<16xf32>, vector<16xi1>
      } {sc.loop_unroll_factor = 2 : i64, sc.parallel_access}
      "tpu.region"() ({
        %run_scoped3A = tpu.sem_alloc : memref<!tpu.dma_semaphore, #tpu.memory_space<semaphore_mem>>
        %dma_start3A_48 = arith.constant 0 : i32
        %dma_start3A_49 = tpu.memref_slice %arg4[%add3A_44, %dma_start3A_48] : memref<32768x64xf32, #tpu.memory_space<hbm>> -> memref<128x64xf32, #tpu.memory_space<hbm>>
        %dma_start3A_50 = arith.constant 0 : i32
        %dma_start3A_51 = tpu.memref_slice %arg4[%add3A_44, %dma_start3A_50] : memref<32768x64xf32, #tpu.memory_space<hbm>> -> memref<128x64xf32, #tpu.memory_space<hbm>>
        tpu.enqueue_dma source(%arg7 : memref<128x64xf32, #tpu.memory_space<vmem>>) target(%dma_start3A_51 : memref<128x64xf32, #tpu.memory_space<hbm>>) target_semaphore(%run_scoped3A : memref<!tpu.dma_semaphore, #tpu.memory_space<semaphore_mem>>)
        %dma_wait3A_52 = arith.constant 0 : i32
        %dma_wait3A_53 = tpu.memref_slice %arg4[%add3A_44, %dma_wait3A_52] : memref<32768x64xf32, #tpu.memory_space<hbm>> -> memref<128x64xf32, #tpu.memory_space<hbm>>
        %dma_wait3A_54 = arith.constant 0 : i32
        %dma_wait3A_55 = tpu.memref_slice %arg4[%add3A_44, %dma_wait3A_54] : memref<32768x64xf32, #tpu.memory_space<hbm>> -> memref<128x64xf32, #tpu.memory_space<hbm>>
        tpu.wait_dma2 semaphore(%run_scoped3A : memref<!tpu.dma_semaphore, #tpu.memory_space<semaphore_mem>>) src(%arg7 : memref<128x64xf32, #tpu.memory_space<vmem>>) dst(%dma_wait3A_55 : memref<128x64xf32, #tpu.memory_space<hbm>>)
        tpu.yield
      }) : () -> ()
      "tpu.region"() ({
        %run_scoped3A = tpu.sem_alloc : memref<!tpu.dma_semaphore, #tpu.memory_space<semaphore_mem>>
        %dma_start3A_48 = arith.constant 0 : i32
        %dma_start3A_49 = tpu.memref_slice %arg3[%add3A_44, %dma_start3A_48] : memref<32768x8xi32, #tpu.memory_space<hbm>> -> memref<128x8xi32, #tpu.memory_space<hbm>>
        %dma_start3A_50 = arith.constant 0 : i32
        %dma_start3A_51 = tpu.memref_slice %arg3[%add3A_44, %dma_start3A_50] : memref<32768x8xi32, #tpu.memory_space<hbm>> -> memref<128x8xi32, #tpu.memory_space<hbm>>
        tpu.enqueue_dma source(%arg8 : memref<128x8xi32, #tpu.memory_space<vmem>>) target(%dma_start3A_51 : memref<128x8xi32, #tpu.memory_space<hbm>>) target_semaphore(%run_scoped3A : memref<!tpu.dma_semaphore, #tpu.memory_space<semaphore_mem>>)
        %dma_wait3A_52 = arith.constant 0 : i32
        %dma_wait3A_53 = tpu.memref_slice %arg3[%add3A_44, %dma_wait3A_52] : memref<32768x8xi32, #tpu.memory_space<hbm>> -> memref<128x8xi32, #tpu.memory_space<hbm>>
        %dma_wait3A_54 = arith.constant 0 : i32
        %dma_wait3A_55 = tpu.memref_slice %arg3[%add3A_44, %dma_wait3A_54] : memref<32768x8xi32, #tpu.memory_space<hbm>> -> memref<128x8xi32, #tpu.memory_space<hbm>>
        tpu.wait_dma2 semaphore(%run_scoped3A : memref<!tpu.dma_semaphore, #tpu.memory_space<semaphore_mem>>) src(%arg8 : memref<128x8xi32, #tpu.memory_space<vmem>>) dst(%dma_wait3A_55 : memref<128x8xi32, #tpu.memory_space<hbm>>)
        tpu.yield
      }) : () -> ()
      "tpu.region"() ({
        %run_scoped3A = tpu.sem_alloc : memref<!tpu.dma_semaphore, #tpu.memory_space<semaphore_mem>>
        %dma_start3A_48 = arith.constant 0 : i32
        %dma_start3A_49 = tpu.memref_slice %arg5[%add3A_44, %dma_start3A_48] : memref<32768x8xf32, #tpu.memory_space<hbm>> -> memref<128x8xf32, #tpu.memory_space<hbm>>
        %dma_start3A_50 = arith.constant 0 : i32
        %dma_start3A_51 = tpu.memref_slice %arg5[%add3A_44, %dma_start3A_50] : memref<32768x8xf32, #tpu.memory_space<hbm>> -> memref<128x8xf32, #tpu.memory_space<hbm>>
        tpu.enqueue_dma source(%arg9 : memref<128x8xf32, #tpu.memory_space<vmem>>) target(%dma_start3A_51 : memref<128x8xf32, #tpu.memory_space<hbm>>) target_semaphore(%run_scoped3A : memref<!tpu.dma_semaphore, #tpu.memory_space<semaphore_mem>>)
        %dma_wait3A_52 = arith.constant 0 : i32
        %dma_wait3A_53 = tpu.memref_slice %arg5[%add3A_44, %dma_wait3A_52] : memref<32768x8xf32, #tpu.memory_space<hbm>> -> memref<128x8xf32, #tpu.memory_space<hbm>>
        %dma_wait3A_54 = arith.constant 0 : i32
        %dma_wait3A_55 = tpu.memref_slice %arg5[%add3A_44, %dma_wait3A_54] : memref<32768x8xf32, #tpu.memory_space<hbm>> -> memref<128x8xf32, #tpu.memory_space<hbm>>
        tpu.wait_dma2 semaphore(%run_scoped3A : memref<!tpu.dma_semaphore, #tpu.memory_space<semaphore_mem>>) src(%arg9 : memref<128x8xf32, #tpu.memory_space<vmem>>) dst(%dma_wait3A_55 : memref<128x8xf32, #tpu.memory_space<hbm>>)
        tpu.yield
      }) : () -> ()
    }
    %scan3A_20 = arith.constant 4 : i32
    return
  }
}

</mosaic_0001>

<sc_bundles>
// kernel: _gate.3.cloned.1.call-start
scs
__scs_entry_jumppad:
0x0: {  	(pc) =	sbr.rel $0x88, $3  }
0x1: {  	(tag) =	ssettag $0x0;
	lr =	simm.s32 $0x1  }
0x2: {  	[smem:$0x3FA0] =	sst lr;
	_ =	strace $0xD0000000  }
0x3: {  	_ = 	snop  }
0x4: {  	_ = 	snop  }
0x5: {  	_ = 	snop  }
0x6: {  	_ = 	snop  }
0x7: {  	_ = 	snop  }
__scs_overlays_trampoline_lowered:
0x8: {  	[smem:$0x3FAF] =	sst s0  }
0x9: {  	[smem:$0x3FB0] =	sst s1  }
0xa: {  	[smem:$0x3FB1] =	sst s2  }
0xb: {  	[smem:$0x3FB2] =	sst s3  }
0xc: {  	[smem:$0x3FB3] =	sst s4  }
0xd: {  	[smem:$0x3FB4] =	sst s5  }
0xe: {  	[smem:$0x3FB5] =	sst s6  }
0xf: {  	[smem:$0x3FB6] =	sst s7  }
0x10: {  	[smem:$0x3FB7] =	sst s8  }
0x11: {  	[smem:$0x3FB8] =	sst s9;
	s0 =	simm.s32 @!p0 $0x0  }
0x12: {  	s1 =	sld [smem:$0x3F9E];
	s0 =	simm.s32 @p0 $0x1  }
0x13: {  	[smem:$0x3FB9] =	sst s0;
	s0 =	simm.s32 @!p1 $0x0  }
0x14: {  	s2 =	sld [smem:$0x3F9D];
	s0 =	simm.s32 @p1 $0x1  }
0x15: {  	[smem:$0x3FBA] =	sst s0;
	s0 =	simm.s32 @!p2 $0x0  }
0x16: {  	s3 =	sld [smem:$0x3FDB];
	s0 =	simm.s32 @p2 $0x1  }
0x17: {  	s4 =	simm.s32 $0x1BF5;
	[smem:$0x3FBC] =	sst s0  }
0x18: {  	s0 =	sld [smem:$0x3F9F];
	_ =	swait.ge [sflag:s4], $0x0  }
0x19: {  	s7 =	sld [smem:$0x3FA0]  }
0x1a: {  	s8 =	sadd.s32 $0xFFFFE003, lr  }
0x1b: {  	s9 =	sadd.s32 $0xFFFFFEF7, lr;
	s5 =	simm.s32 $0xFFFFFFFF;
	p2 =	slt.u32 s8, $0xFFFFF086  }
0x1c: {  	p1 =	slt.u32 s9, $0xF7A;
	s5 =	simm.s32 @!p2 $0x0  }
0x1d: {  	s5 =	simm.s32 @p1 $0x1;
	p0 =	seq.s32 s7, s2  }
0x1e: {  	s7 =	smul.u32 @!p0 $0xF7A, s2;
	p2 =	seq.s32 @!p0 s5, $0x0  }
0x1f: {  	s9 =	smul.u32 $0xF7A, s1;
	s8 =	simm.s32 @!p0 $0x1BF5;
	p2 =	por !p2, p0  }
0x20: {  	[sflag:s8] =	ssyncset.s32 @!p0 $0xFFFFF086;
	s6 =	sadd.s32 @!p0 s3, s7;
	s7 =	simm.s32 @!p0 $0x108  }
0x21: {  	s3 =	sadd.s32 s3, s9;
	s6 =	sadd.s32 @!p0 $0x88, s6;
	s7 =	simm.s32 @p2 $0x1082  }
0x22: {  	[simem:s7], [sflag:s8] =	dma.local @!p0 [hbm:s6], $0xF7A  }
0x23: {  	s9 =	sor.u32 $0xD0000000, s2;
	s6 =	simm.s32 $0x108;
	_ =	swait.ge @!p0 [sflag:s8], $0x0  }
0x24: {  	s3 =	sadd.s32 $0x88, s3;
	s6 =	simm.s32 @!p1 $0x1082;
	[sflag:s4] =	ssyncset.s32 $0xFFFFF086  }
0x25: {  	[simem:s6], [sflag:s4] =	dma.local [hbm:s3], $0xF7A  }
0x26: {  	[smem:$0x3FA0] =	sst s1;
	(tag) =	ssettag s2;
	_ =	strace s9  }
0x27: {  	s1 =	sld [smem:$0x3FB0]  }
0x28: {  	s2 =	sld [smem:$0x3FB1]  }
0x29: {  	s4 =	sld [smem:$0x3FB3]  }
0x2a: {  	p0 =	seq.s32 s5, $0x0;
	s5 =	sld [smem:$0x3FB4]  }
0x2b: {  	s6 =	sld [smem:$0x3FB5]  }
0x2c: {  	s7 =	sld [smem:$0x3FB6]  }
0x2d: {  	s3 =	simm.s32 $0x108;
	s8 =	sld [smem:$0x3FB7]  }
0x2e: {  	s3 =	simm.s32 @!p0 $0x1082;
	s9 =	sld [smem:$0x3FB8]  }
0x2f: {  	lr =	sadd.s32 s0, s3;
	s0 =	sld [smem:$0x3FAF]  }
0x30: {  	s3 =	sld [smem:$0x3FB2]  }
0x31: {  	[smem:$0x3FBB] =	sst s10  }
0x32: {  	s10 =	sld [smem:$0x3FB9];
	_ =	sdelay $0x3  }
0x33: {  	p0 =	seq.s32 s10, $0x1;
	s10 =	sld [smem:$0x3FBB];
	_ =	sdelay $0x3  }
0x34: {  	[smem:$0x3FBB] =	sst s10  }
0x35: {  	s10 =	sld [smem:$0x3FBA];
	_ =	sdelay $0x3  }
0x36: {  	p1 =	seq.s32 s10, $0x1;
	s10 =	sld [smem:$0x3FBB];
	_ =	sdelay $0x3  }
0x37: {  	[smem:$0x3FBB] =	sst s10  }
0x38: {  	s10 =	sld [smem:$0x3FBC]  }
0x39: {  	_ = 	snop;
	(pc) =	sbr.ind lr, $3  }
0x3a: {  	_ = 	snop  }
0x3b: {  	_ = 	snop  }
0x3c: {  	p2 =	seq.s32 s10, $0x1;
	s10 =	sld [smem:$0x3FBB]  }
0x3d: {  	_ =	shalt  }
0x3e: {  	_ =	shalt  }
0x3f: {  	_ =	shalt  }
0x40: {  	_ =	shalt  }
0x41: {  	_ =	shalt  }
0x42: {  	_ =	shalt  }
0x43: {  	_ =	shalt  }
0x44: {  	_ =	shalt  }
0x45: {  	_ =	shalt  }
0x46: {  	_ =	shalt  }
0x47: {  	_ =	shalt  }
0x48: {  	_ =	shalt  }
0x49: {  	_ =	shalt  }
0x4a: {  	_ =	shalt  }
0x4b: {  	_ =	shalt  }
0x4c: {  	_ =	shalt  }
0x4d: {  	_ =	shalt  }
0x4e: {  	_ =	shalt  }
0x4f: {  	_ =	shalt  }
0x50: {  	_ =	shalt  }
0x51: {  	_ =	shalt  }
0x52: {  	_ =	shalt  }
0x53: {  	_ =	shalt  }
0x54: {  	_ =	shalt  }
0x55: {  	_ =	shalt  }
0x56: {  	_ =	shalt  }
0x57: {  	_ =	shalt  }
0x58: {  	_ =	shalt  }
0x59: {  	_ =	shalt  }
0x5a: {  	_ =	shalt  }
0x5b: {  	_ =	shalt  }
0x5c: {  	_ =	shalt  }
0x5d: {  	_ =	shalt  }
0x5e: {  	_ =	shalt  }
0x5f: {  	_ =	shalt  }
0x60: {  	_ =	shalt  }
0x61: {  	_ =	shalt  }
0x62: {  	_ =	shalt  }
0x63: {  	_ =	shalt  }
0x64: {  	_ =	shalt  }
0x65: {  	_ =	shalt  }
0x66: {  	_ =	shalt  }
0x67: {  	_ =	shalt  }
0x68: {  	_ =	shalt  }
0x69: {  	_ =	shalt  }
0x6a: {  	_ =	shalt  }
0x6b: {  	_ =	shalt  }
0x6c: {  	_ =	shalt  }
0x6d: {  	_ =	shalt  }
0x6e: {  	_ =	shalt  }
0x6f: {  	_ =	shalt  }
0x70: {  	_ =	shalt  }
0x71: {  	_ =	shalt  }
0x72: {  	_ =	shalt  }
0x73: {  	_ =	shalt  }
0x74: {  	_ =	shalt  }
0x75: {  	_ =	shalt  }
0x76: {  	_ =	shalt  }
0x77: {  	_ =	shalt  }
0x78: {  	_ =	shalt  }
0x79: {  	_ =	shalt  }
0x7a: {  	_ =	shalt  }
0x7b: {  	_ =	shalt  }
0x7c: {  	_ =	shalt  }
0x7d: {  	_ =	shalt  }
0x7e: {  	_ =	shalt  }
0x7f: {  	_ =	shalt  }
0x80: {  	_ =	shalt  }
0x81: {  	_ =	shalt  }
0x82: {  	_ =	shalt  }
0x83: {  	_ =	shalt  }
0x84: {  	_ =	shalt  }
0x85: {  	_ =	shalt  }
0x86: {  	_ =	shalt  }
0x87: {  	_ =	shalt  }
.Lfunc_end0:
.L_simem_size_0:
called_computation_lowered:
.L_overlay_start_0:
0x88: {  	s2 =	sld [smem:$0x3FD9]  }
0x89: {  	s3 =	sld [smem:$0x3FFE];
	_ =	sdelay $0x1  }
0x8a: {  	s1 =	srdreg.scid  }
0x8b: {  	s0 =	sand.u32 $0x1, s1  }
0x8c: {  	s16 =	sshll.u32 s0, $0xA;
	s2 =	sadd.s32 s3, s2  }
0x8d: {  	s2 =	sadd.s32 s2, s16  }
0x8e: {  	[smem:$0x3FC7] =	sst s2  }
0x8f: {  	_ = 	snop  }
0x90: {  	(tm) =	ssettm $0x1  }
0x91: {  	s17 =	sld [smem:$0x3FFB];
	_ =	sdelay $0x3  }
0x92: {  	_ =	strace s17  }
0x93: {  	s2 =	sld [smem:$0x3FFC];
	_ =	sdelay $0x3  }
0x94: {  	_ =	strace s2  }
0x95: {  	s2 =	sld [smem:$0x3FFD];
	_ =	sdelay $0x3  }
0x96: {  	_ =	strace s2  }
0x97: {  	_ =	strace $0x8FFFFFFF  }
0x98: {  	s18 =	sld [smem:$0x3FDB];
	_ =	sdelay $0x1  }
0x99: {  	s19 =	simm.s32 $_scs_section_size  }
0x9a: {  	s4 =	simm.s32 $_size__tile_overlayer_lowered;
	s5 =	simm.s32 $_tile_overlayer_lowered  }
0x9b: {  	s22 =	simm.s32 $0x1BFF;
	s21 =	sshll.u32 s5, $0x1;
	s2 =	sadd.s32 s19, s18  }
0x9c: {  	s6 =	simm.s32 $0x0;
	s20 =	sshll.u32 s4, $0x1;
	s4 =	sadd.s32 s21, s2  }
0x9d: {  	[timem:s6], [sflag:s22] =	dma.local [hbm:s4], s20  }
0x9e: {  	_ =	swait.ge [sflag:s22], s20  }
0x9f: {  	s3 =	ssub.s32 $0x0, s20;
	[sflag:s22] =	ssyncset.done $0x0  }
0xa0: {  	[sflag:s22] =	ssyncadd.s32 s3;
	_ =	sdelay $0x1  }
0xa1: {  	s23 =	simm.s32 $0x1B8B  }
0xa2: {  	_ =	swait.ge [sflag:s23], $0x1  }
0xa3: {  	[sflag:s23] =	ssyncset.done $0x0  }
0xa4: {  	s25 =	simm.s32 $0x1B8E;
	s24 =	sld [smem:$0x3FFE];
	[sflag:s23] =	ssyncadd.s32 $0xFFFFFFFF  }
0xa5: {  	s26 =	simm.s32 $execute0_lowered;
	[smem:$0x3FD2] =	sst s25  }
0xa6: {  	s4 =	sshll.u32 s26, $0x1;
	_ =	strace $0x80000046;
	[dreg:$0x1] =	wrdreg $0xFFFFFFFF  }
0xa7: {  	s28 =	simm.s32 $_size_execute0_lowered;
	s2 =	sadd.s32 s2, s4;
	[dreg:$0x0] =	wrdreg $0x0  }
0xa8: {  	s4 =	sshll.u32 s28, $0x1;
	[dreg:$0x2] =	wrdreg s2  }
0xa9: {  	[dreg:$0x3] =	wrdreg s4  }
0xaa: {  	[dreg:$0x4] =	wrdreg $0xC0  }
0xab: {  	_ =	task [dreg:s6], $0x5FFFF  }
0xac: {  	[dreg:$0x1] =	wrdreg $0xFFFFFFFF  }
0xad: {  	[dreg:$0x0] =	wrdreg $0x60  }
0xae: {  	[dreg:$0x2] =	wrdreg s24  }
0xaf: {  	[dreg:$0x3] =	wrdreg $0x9  }
0xb0: {  	_ =	task.clear_ibuf [dreg:s6], $0x4FFFF;
	_ =	strace $0x90000046  }
0xb1: {  	s29 =	simm.s32 $0x9;
	_ =	strace $0x80000048  }
0xb2: {  	_ =	swait.ge [sflag:s29], $0x1  }
0xb3: {  	[sflag:s29] =	ssyncadd.s32 $0xFFFFFFFF  }
0xb4: {  	_ =	strace $0x90000048  }
0xb5: {  	_ =	sfence  }
0xb6: {  	s30 =	sld [smem:$0x0];
	_ =	sdelay $0x2  }
0xb7: {  	s31 =	sshll.u32 s1, $0xD;
	s1 =	sshrl.u32 s1, $0x2  }
0xb8: {  	s3 =	sand.u32 $0x4000, s31;
	s1 =	sadd.s32 s1, s30  }
0xb9: {  	s0 =	sor.u32 s3, s0;
	s1 =	sshll.u32 s1, $0x11  }
0xba: {  	s0 =	sor.u32 s1, s0  }
0xbb: {  	s0 =	sadd.s32 $0x8F2B, s0  }
0xbc: {  	[sflag:s0] =	ssyncadd.remote.s32 $0x1  }
0xbd: {  	_ =	sfence.sel $0xFFFF  }
0xbe: {  	[dreg:$0x0] =	wrdreg $0xFFFFFFFF;
	(pc) =	sbr.abs _section_cstart, $3  }
0xbf: {  	[dreg:$0x1] =	wrdreg $0xFFFFFFFF  }
0xc0: {  	_ =	task.clear_ibuf [dreg:s6], $0x2FFFF;
	_ =	strace $0x9FFFFFFF  }
0xc1: {  	(tm) =	ssettm $0x7FFFFFFF  }
tec
execute0_lowered:
.L_overlay_start_1:
0x0: {  	(tag) =	ssettag $0x1  }
0x1: {  	s9 =	rddreg [dreg:$0x0]  }
0x2: {  	s1 =	simm.s32 $0x0;
	s5 =	srdreg.scid;
	s0 =	stileid.u32  }
0x3: {  	v0 =	vimm.s32 $0xFEDCBA98;
	s11 =	simm.s32 $0x1;
	s12 =	simm.s32 $0x4000;
	s13 =	simm.s32 $0x8000  }
0x4: {  	v1 =	vimm.s32 $0x76543210;
	s14 =	simm.s32 $0xC000;
	s15 =	simm.s32 $0x3;
	s16 =	simm.s32 $0x2;
	v0 =	vunpack.c.l.s4.s8 v0  }
0x5: {  	s17 =	simm.s32 $0x0;
	[smem:$0x7FF] =	sst s1;
	s3 =	sadd.s32 $0x1800, s9;
	v1 =	vunpack.c.l.s4.s8 v1  }
0x6: {  	s4 =	sadd.s32 $0x81800, s9;
	s5 =	sand.u32 $0x1, s5;
	s6 =	sshll.u32 s0, $0xF;
	v2 =	vunpack.c.0.s8.s32 v0  }
0x7: {  	_ =	strace $0x80000047;
	s8 =	ssub.s32 $0x2, s5;
	s7 =	sshll.u32 s5, $0xE;
	v4 =	vunpack.c.0.s8.s32 v1  }
0x8: {  	vm0 =	vmmov $0xff;
	s5 =	sadd.s32 $0x181800, s9;
	s10 =	sshrl.u32 s8, $0x1;
	s6 =	sor.u32 s7, s6;
	v0 =	vlaneseq.u32;
	v5 =	vand.u32 $0xF, v2  }
0x9: {  	v6 =	vimm.s32 $0xF;
	s7 =	sadd.s32 $0x101800, s9;
	s10 =	ssub.s32 s8, s10;
	s31 =	sadd.s32 s3, s6;
	v1 =	vor.u32 $0x10, v0;
	v4 =	vcombine.low v5, v4  }
0xa: {  	s9 =	sadd.s32 $0x2800, s9;
	v3 =	vor.u32 $0x30, v0;
	[dreg:$0x2] =	wrdreg s31;
	s10 =	smax.u32 s10, $0x1;
	v2 =	vor.u32 $0x20, v0;
	v5 =	vimm.s32 $0x0  }
.LBB2_1:
0xb: {  	s0 =	rddreg [dreg:$0x2];
	s18 =	simm.s32 $0x0  }
0xc: {  	[tilespmem:s1], [sflag:$0x1] =	stream.linear.gather [hbm4b:s0+s1], $0x4000, $0x38;
	[tilespmem:$0x10000] =	vst v63  }
.LBB2_2:
0xd: {  	s19 =	sshll.u32 s18, $0xC  }
0xe: {  	_ =	swait.ge [sflag:s11], $0x4000;
	s20 =	sadd.s32 s6, s19  }
0xf: {  	[sflag:s11] =	ssyncset.done $0x0;
	s19 =	sor.u32 $0x800, s20  }
0x10: {  	s23 =	simm.s32 $0x0;
	[sflag:s11] =	ssyncadd.s32 $0xFFFFC000;
	s21 =	sadd.s32 s3, s19  }
0x11: {  	[tilespmem:s12], [sflag:$0x2] =	stream.linear.gather [hbm4b:s21+s23], $0x4000, $0x38;
	[tilespmem:$0x10000] =	vst v63  }
0x12: {  	s21 =	simm.s32 $0x80  }
0x13: {  	v9 =	vld [tilespmem:s21+$0x30]  }
0x14: {  	v13 =	vld [tilespmem:s21+$0x20]  }
0x15: {  	v8 =	vld [tilespmem:s21+$0xFFFFFFB0]  }
0x16: {  	v15 =	vld [tilespmem:s21+$0x10];
	_ =	sdelay $0x1  }
0x17: {  	(xrf1) =	vsort.dscd.msk.f32 $0xffff, v9, v3  }
0x18: {  	(xrf1) =	vsort.dscd.msk.f32 $0xffff, v13, v2  }
0x19: {  	v17 =	vld [tilespmem:s21+$0x0];
	(xrf1) =	vsort.dscd.msk.f32 $0xffff, v8, v3  }
0x1a: {  	v20 =	vld [tilespmem:s21+$0xFFFFFFA0];
	(xrf1) =	vsort.dscd.msk.f32 $0xffff, v15, v1  }
0x1b: {  	v16 =	vld [tilespmem:s21+$0xFFFFFF90];
	_ =	sdelay $0x1  }
0x1c: {  	v11 =	vld [tilespmem:s21+$0xFFFFFF80]  }
0x1d: {  	(xrf1) =	vsort.dscd.msk.f32 $0xffff, v17, v0  }
0x1e: {  	(xrf1) =	vsort.dscd.msk.f32 $0xffff, v20, v2  }
0x1f: {  	(xrf1) =	vsort.dscd.msk.f32 $0xffff, v16, v1;
	_ =	sdelay $0x1  }
0x20: {  	(xrf1) =	vsort.dscd.msk.f32 $0xffff, v11, v0;
	_ =	sdelay $0x2  }
0x21: {  	v7, v10, _ =	vpop (xrf1)  }
0x22: {  	v12, v14, _ =	vpop (xrf1)  }
0x23: {  	v7 =	vperm.xlane v7, v4;
	v18, v19, _ =	vpop (xrf1)  }
0x24: {  	v21, v22, _ =	vpop (xrf1)  }
0x25: {  	v7 =	vsel vm0, v12, v7;
	v12 =	vperm.xlane v21, v4;
	v21 =	vperm.xlane v22, v4  }
0x26: {  	v10 =	vperm.xlane v10, v4;
	v19 =	vperm.xlane v19, v4;
	_ =	sdelay $0x1  }
0x27: {  	v10 =	vsel vm0, v14, v10;
	v18 =	vperm.xlane v18, v4;
	v14, v22, _ =	vpop (xrf1)  }
0x28: {  	v12 =	vsel vm0, v14, v12;
	v14, v23, _ =	vpop (xrf1);
	(xrf1) =	vsort.dscd.msk.f32 $0xffff, v7, v10  }
0x29: {  	v7 =	vsel vm0, v22, v21;
	v10 =	vsel vm0, v23, v19;
	v14 =	vsel vm0, v14, v18;
	v19, v21, _ =	vpop (xrf1)  }
0x2a: {  	(xrf1) =	vsort.dscd.msk.f32 $0xffff, v12, v7;
	v7 =	vperm.xlane v19, v4;
	v12 =	vperm.xlane v21, v4  }
0x2b: {  	v18, v19, _ =	vpop (xrf1);
	(xrf1) =	vsort.dscd.msk.f32 $0xffff, v14, v10  }
0x2c: {  	v7 =	vsel vm0, v18, v7;
	v10 =	vsel vm0, v19, v12  }
0x2d: {  	(xrf1) =	vsort.dscd.msk.f32 $0xffff, v7, v10;
	_ =	sdelay $0x2  }
0x2e: {  	s22 =	simm.s32 $0x180  }
0x2f: {  	v27 =	vld [tilespmem:s22+$0x30];
	_ =	sdelay $0x1  }
0x30: {  	v29 =	vld [tilespmem:s22+$0x20]  }
0x31: {  	v10 =	vld [tilespmem:s22+$0xFFFFFFB0]  }
0x32: {  	v12 =	vld [tilespmem:s22+$0x10]  }
0x33: {  	v36 =	vld [tilespmem:s22+$0x0];
	(xrf1) =	vsort.dscd.msk.f32 $0xffff, v27, v3  }
0x34: {  	v18 =	vld [tilespmem:s22+$0xFFFFFFA0];
	v21, v22, _ =	vpop (xrf1)  }
0x35: {  	(xrf1) =	vsort.dscd.msk.f32 $0xffff, v29, v2;
	v23, v24, _ =	vpop (xrf1)  }
0x36: {  	v14 =	vld [tilespmem:s22+$0xFFFFFF90];
	(xrf1) =	vsort.dscd.msk.f32 $0xffff, v10, v3;
	v7, v19, _ =	vpop (xrf1)  }
0x37: {  	(xrf1) =	vsort.dscd.msk.f32 $0xffff, v12, v1;
	v7 =	vperm.xlane v7, v4;
	v25 =	vperm.xlane v19, v4  }
0x38: {  	(xrf1) =	vsort.dscd.msk.f32 $0xffff, v36, v0;
	v19 =	vld [tilespmem:s22+$0xFFFFFF80];
	v26, v28, _ =	vpop (xrf1)  }
0x39: {  	(xrf1) =	vsort.dscd.msk.f32 $0xffff, v18, v2;
	v7 =	vsel vm0, v26, v7;
	v25 =	vsel vm0, v28, v25  }
0x3a: {  	(xrf1) =	vsort.dscd.msk.f32 $0xffff, v7, v25  }
0x3b: {  	(xrf1) =	vsort.dscd.msk.f32 $0xffff, v14, v1;
	_ =	sdelay $0x1  }
0x3c: {  	(xrf1) =	vsort.dscd.msk.f32 $0xffff, v19, v0;
	_ =	sdelay $0x3  }
0x3d: {  	v7, v25, _ =	vpop (xrf1)  }
0x3e: {  	v7 =	vperm.xlane v7, v4  }
0x3f: {  	v26, v28, _ =	vpop (xrf1)  }
0x40: {  	v30, v31, _ =	vpop (xrf1);
	v7 =	vsel vm0, v26, v7  }
0x41: {  	v25 =	vperm.xlane v25, v4;
	v32, v33, _ =	vpop (xrf1)  }
0x42: {  	v31 =	vperm.xlane v31, v4;
	v26 =	vperm.xlane v32, v4;
	v53, v34, _ =	vpop (xrf1)  }
0x43: {  	v25 =	vsel vm0, v28, v25;
	v28 =	vperm.xlane v30, v4;
	v52 =	vperm.xlane v33, v4;
	v30, v35, _ =	vpop (xrf1)  }
0x44: {  	(xrf1) =	vsort.dscd.msk.f32 $0xffff, v7, v25;
	v26 =	vsel vm0, v53, v26;
	v54, v7, _ =	vpop (xrf1)  }
0x45: {  	v25 =	vsel vm0, v34, v52;
	v31 =	vsel vm0, v35, v31;
	v28 =	vsel vm0, v30, v28;
	v55, v56, _ =	vpop (xrf1)  }
0x46: {  	(xrf1) =	vsort.dscd.msk.f32 $0xffff, v26, v25;
	v25 =	vperm.xlane v55, v4;
	v26 =	vperm.xlane v56, v4  }
0x47: {  	(xrf1) =	vsort.dscd.msk.f32 $0xffff, v28, v31;
	v30, v57, _ =	vpop (xrf1)  }
0x48: {  	v25 =	vsel vm0, v30, v25;
	v26 =	vsel vm0, v57, v26  }
0x49: {  	(xrf1) =	vsort.dscd.msk.f32 $0xffff, v25, v26  }
0x4a: {  	v21 =	vperm.xlane v21, v4;
	v25 =	vperm.xlane v54, v5  }
0x4b: {  	v22 =	vperm.xlane v22, v4  }
0x4c: {  	v21 =	vsel vm0, v23, v21;
	v23 =	vsub.f32 v11, v25  }
0x4d: {  	s24 =	simm.s32 $0x280;
	v22 =	vsel vm0, v24, v22  }
0x4e: {  	(xrf1) =	vsort.dscd.msk.f32 $0xffff, v21, v22;
	v11 =	vld [tilespmem:s24+$0x30];
	v22 =	vsub.f32 v16, v25;
	v21 =	vmul.f32 $1.442695020e+00, v23  }
0x4f: {  	v23 =	vsub.f32 v54, v25  }
0x50: {  	v16 =	vld [tilespmem:s24+$0x20];
	(erf) = vpow2.f32 v21;
	v21 =	vmul.f32 $1.442695020e+00, v22  }
0x51: {  	v32 =	vld [tilespmem:s24+$0xFFFFFFB0];
	v8 =	vsub.f32 v8, v25;
	v22 =	vmul.f32 $1.442695020e+00, v23  }
0x52: {  	v24 =	vld [tilespmem:s24+$0x10];
	v20 =	vsub.f32 v20, v25  }
0x53: {  	v28 =	vld [tilespmem:s24+$0x0];
	v8 =	vmul.f32 $1.442695020e+00, v8;
	(xrf1) =	vsort.dscd.msk.f32 $0xffff, v11, v3;
	v23, v25, _ =	vpop (xrf1)  }
0x54: {  	v34 =	vld [tilespmem:s24+$0xFFFFFFA0];
	v20 =	vmul.f32 $1.442695020e+00, v20;
	(erf) = vpow2.f32 v21;
	v21, v26, _ =	vpop (xrf1)  }
0x55: {  	(xrf1) =	vsort.dscd.msk.f32 $0xffff, v16, v2;
	(erf) = vpow2.f32 v22;
	v22, v30, _ =	vpop (xrf1)  }
0x56: {  	v35 =	vld [tilespmem:s24+$0xFFFFFF90];
	(xrf1) =	vsort.dscd.msk.f32 $0xffff, v32, v3;
	(erf) = vpow2.f32 v20;
	v20 =	vperm.xlane v22, v4  }
0x57: {  	(xrf1) =	vsort.dscd.msk.f32 $0xffff, v24, v1;
	(erf) = vpow2.f32 v8;
	v22 =	vperm.xlane v30, v4;
	v8, v30, _ =	vpop (xrf1)  }
0x58: {  	v31 =	vld [tilespmem:s24+$0xFFFFFF80];
	(xrf1) =	vsort.dscd.msk.f32 $0xffff, v28, v0;
	v8 =	vsel vm0, v8, v20  }
0x59: {  	(xrf1) =	vsort.dscd.msk.f32 $0xffff, v34, v2;
	v20 =	vsel vm0, v30, v22  }
0x5a: {  	(xrf1) =	vsort.dscd.msk.f32 $0xffff, v8, v20  }
0x5b: {  	(xrf1) =	vsort.dscd.msk.f32 $0xffff, v35, v1  }
0x5c: {  	v22, v8, _ =	vpop (xrf1)  }
0x5d: {  	v20 =	vpop (erf);
	(xrf1) =	vsort.dscd.msk.f32 $0xffff, v31, v0;
	v30 =	vperm.xlane v22, v5  }
0x5e: {  	v41 =	vpop (erf)  }
0x5f: {  	v58 =	vadd.f32 v41, v20;
	v42 =	vpop (erf);
	v9 =	vsub.f32 v9, v30  }
0x60: {  	v23 =	vperm.xlane v23, v4;
	v25 =	vperm.xlane v25, v4;
	v43 =	vpop (erf)  }
0x61: {  	v37 =	vnsel vm0, $0x0, v42;
	v38, v39, _ =	vpop (xrf1);
	v17 =	vsub.f32 v17, v30;
	v33 =	vadd.f32 v58, v43  }
0x62: {  	v15 =	vsub.f32 v15, v30;
	v13 =	vsub.f32 v13, v30;
	v44 =	vpop (erf);
	v38 =	vperm.xlane v38, v4  }
0x63: {  	(xrf2) =	vadd.scan.msk.f32 $0xffff, v37;
	v17 =	vmul.f32 $1.442695020e+00, v17;
	v33 =	vadd.f32 v33, v44;
	v59 =	vmul.f32 $1.442695020e+00, v9;
	v9, v40, _ =	vpop (xrf1)  }
0x64: {  	v15 =	vmul.f32 $1.442695020e+00, v15;
	v13 =	vmul.f32 $1.442695020e+00, v13;
	v45, v46, _ =	vpop (xrf1);
	v9 =	vsel vm0, v9, v38  }
0x65: {  	(erf) = vpow2.f32 v17;
	(xrf2) =	vadd.scan.msk.f32 $0xffff, v33;
	v17 =	vperm.xlane v39, v4;
	v60, v61, _ =	vpop (xrf1)  }
0x66: {  	(erf) = vpow2.f32 v15;
	v15 =	vperm.xlane v60, v4;
	v63, v48, _ =	vpop (xrf1)  }
0x67: {  	v46 =	vperm.xlane v46, v4;
	v17 =	vsel vm0, v40, v17;
	v62 =	vperm.xlane v61, v4;
	v50, v47, _ =	vpop (xrf1)  }
0x68: {  	v49 =	vperm.xlane v45, v4;
	(erf) = vpow2.f32 v13;
	(xrf1) =	vsort.dscd.msk.f32 $0xffff, v9, v17;
	v15 =	vsel vm0, v63, v15;
	v51, v9, _ =	vpop (xrf1)  }
0x69: {  	v13 =	vsel vm0, v48, v62;
	v17 =	vsel vm0, v47, v46;
	v53, v52, _ =	vpop (xrf1);
	v54 =	vperm.xlane v51, v5  }
0x6a: {  	v55 =	vsel vm0, v50, v49;
	(xrf1) =	vsort.dscd.msk.f32 $0xffff, v15, v13;
	v13 =	vperm.xlane v53, v4  }
0x6b: {  	(erf) = vpow2.f32 v59;
	v15 =	vperm.xlane v52, v4;
	v56, v57, _ =	vpop (xrf1);
	(xrf1) =	vsort.dscd.msk.f32 $0xffff, v55, v17;
	v17 =	vsub.f32 v19, v54  }
0x6c: {  	v21 =	vsel vm0, v21, v23;
	v13 =	vsel vm0, v56, v13  }
0x6d: {  	v58, _, _ =	vpop (xrf2);
	v15 =	vsel vm0, v57, v15;
	v23 =	vmul.f32 $1.442695020e+00, v17;
	v17 =	vsel vm0, v26, v25  }
0x6e: {  	v19 =	vpop (erf);
	(xrf1) =	vsort.dscd.msk.f32 $0xffff, v13, v15  }
0x6f: {  	(xrf1) =	vsort.dscd.msk.f32 $0xffff, v21, v17;
	v13, _, _ =	vpop (xrf2)  }
0x70: {  	s30 =	simm.s32 $0x380;
	v14 =	vsub.f32 v14, v54;
	v17 =	vpop (erf);
	v21 =	vperm.xlane v13, v6  }
0x71: {  	(erf) = vpow2.f32 v23;
	v13 =	vld [tilespmem:s30+$0x30];
	v23 =	vadd.f32 v17, v19  }
0x72: {  	v22 =	vsub.f32 v22, v30;
	v15 =	vpop (erf);
	(erf) = vrcp.f32 v21  }
0x73: {  	v25 =	vmul.f32 $1.442695020e+00, v14;
	v21 =	vadd.f32 v23, v15  }
0x74: {  	v22 =	vmul.f32 $1.442695020e+00, v22;
	v14 =	vpop (erf);
	v23 =	vld [tilespmem:s30+$0x20]  }
0x75: {  	v30 =	vld [tilespmem:s30+$0xFFFFFFB0];
	v26 =	vsub.f32 v51, v54;
	(erf) = vpow2.f32 v25;
	v21 =	vadd.f32 v21, v14  }
0x76: {  	v18 =	vsub.f32 v18, v54;
	v25 =	vld [tilespmem:s30+$0x10];
	(erf) = vpow2.f32 v22;
	(xrf1) =	vsort.dscd.msk.f32 $0xffff, v13, v3  }
0x77: {  	v22 =	vmul.f32 $1.442695020e+00, v26;
	v26 =	vld [tilespmem:s30+$0x0];
	v59, v40, _ =	vpop (xrf1);
	(xrf2) =	vadd.scan.msk.f32 $0xffff, v21  }
0x78: {  	v33 =	vld [tilespmem:s30+$0xFFFFFFA0];
	v18 =	vmul.f32 $1.442695020e+00, v18;
	v21 =	vsub.f32 v10, v54;
	v45, v39, _ =	vpop (xrf1)  }
0x79: {  	(erf) = vpow2.f32 v22;
	v22 =	vperm.xlane v58, v6;
	(xrf1) =	vsort.dscd.msk.f32 $0xffff, v23, v2;
	v46, v47, _ =	vpop (xrf1)  }
0x7a: {  	v10 =	vpop (erf);
	v21 =	vmul.f32 $1.442695020e+00, v21;
	(erf) = vpow2.f32 v18;
	(xrf1) =	vsort.dscd.msk.f32 $0xffff, v30, v3  }
0x7b: {  	v38 =	vld [tilespmem:s30+$0xFFFFFF90];
	v46 =	vperm.xlane v46, v4;
	(xrf1) =	vsort.dscd.msk.f32 $0xffff, v25, v1;
	v48 =	vpop (erf)  }
0x7c: {  	v47 =	vperm.xlane v47, v4;
	(erf) = vpow2.f32 v21;
	v49, v50, _ =	vpop (xrf1);
	(xrf1) =	vsort.dscd.msk.f32 $0xffff, v26, v0  }
0x7d: {  	v51, v18, _ =	vpop (xrf1);
	(erf) = vrcp.f32 v22;
	(xrf1) =	vsort.dscd.msk.f32 $0xffff, v33, v2;
	v55 =	vmul.f32 v41, v48;
	v41 =	vld [tilespmem:s30+$0xFFFFFF80]  }
0x7e: {  	v22 =	vpop (erf);
	v21 =	vmul.f32 v43, v48;
	v43 =	vsel vm0, v49, v46;
	v61 =	vsel vm0, v50, v47  }
0x7f: {  	v37 =	vpop (erf);
	v53 =	vperm.xlane v51, v5;
	(xrf1) =	vsort.dscd.msk.f32 $0xffff, v43, v61  }
0x80: {  	v52 =	vperm.xlane v59, v4;
	v54 =	vnsel vm0, $0x0, v37;
	(xrf1) =	vsort.dscd.msk.f32 $0xffff, v38, v1  }
0x81: {  	v20 =	vmul.f32 v20, v48;
	v36 =	vsub.f32 v36, v53;
	v29 =	vsub.f32 v29, v53;
	v49, _, _ =	vpop (xrf2);
	(xrf2) =	vadd.scan.msk.f32 $0xffff, v54  }
0x82: {  	v60 =	vsub.f32 v12, v53;
	v12 =	vpop (erf);
	v62 =	vsub.f32 v27, v53;
	(xrf1) =	vsort.dscd.msk.f32 $0xffff, v41, v0  }
0x83: {  	v48 =	vmul.f32 v44, v48;
	v56 =	vadd.f32 v22, v10;
	v63 =	vsub.f32 v51, v53;
	v27 =	vpop (erf)  }
0x84: {  	v50 =	vmul.f32 $1.442695020e+00, v36;
	v46 =	vmul.f32 $1.442695020e+00, v62;
	v62 =	vnsel vm0, $0x0, v12;
	v51, v53, _ =	vpop (xrf1)  }
0x85: {  	v54 =	vmul.f32 $1.442695020e+00, v60;
	v57 =	vmul.f32 $1.442695020e+00, v29;
	(xrf2) =	vadd.scan.msk.f32 $0xffff, v62;
	v59 =	vadd.f32 v56, v27;
	v29 =	vpop (erf)  }
0x86: {  	v49 =	vperm.xlane v49, v6;
	(erf) = vpow2.f32 v50;
	v58 =	vpop (erf)  }
0x87: {  	v60 =	vperm.xlane v51, v4;
	v51 =	vperm.xlane v53, v4;
	v56 =	vadd.f32 v59, v29;
	v61, v53, _ =	vpop (xrf1)  }
0x88: {  	[tilespmem:s21+$0xFFFFFF90] =	vst v55;
	v44 =	vmul.f32 $1.442695020e+00, v63;
	(erf) = vpow2.f32 v54;
	v55, v63, _ =	vpop (xrf1)  }
0x89: {  	v43 =	vsel vm0, v45, v52;
	(erf) = vrcp.f32 v49;
	v36 =	vmul.f32 v58, v42;
	(xrf2) =	vadd.scan.msk.f32 $0xffff, v56;
	v59, v58, _ =	vpop (xrf1)  }
0x8a: {  	v60 =	vsel vm0, v61, v60;
	v45 =	vperm.xlane v63, v4;
	v61 =	vperm.xlane v59, v4;
	v62, v50, _ =	vpop (xrf1)  }
0x8b: {  	s29 =	simm.s32 $0x2;
	s28 =	simm.s32 $0x4;
	[tilespmem:s21+$0xFFFFFFB0] =	vst v48;
	v53 =	vsel vm0, v53, v51;
	v47 =	vperm.xlane v55, v4;
	v42 =	vperm.xlane v58, v4;
	v63, _, _ =	vpop (xrf2)  }
0x8c: {  	s26 =	simm.s32 $0x6;
	s31 =	simm.s32 $0x8;
	s25 =	simm.s32 $0x380;
	(erf) = vpow2.f32 v57;
	(xrf1) =	vsort.dscd.msk.f32 $0xffff, v60, v53;
	v49, v52, _ =	vpop (xrf1);
	v51 =	vsel vm0, v62, v61;
	v48 =	vperm.xlane v63, v6  }
.LBB2_3:
0x8d: {  	p0 =	slt.u32 s31, $0x7E;
	v50 =	vsel vm0, v50, v42;
	v53, v42, _ =	vpop (xrf1);
	(erf) = vpow2.f32 v46;
	s0 =	smov.u32 s31;
	s31 =	sadd.s32 $0x2, s31;
	v40 =	vperm.xlane v40, v4  }
0x8e: {  	v45 =	vsel vm0, v52, v45;
	v46, v52, _ =	vpop (xrf1);
	(xrf1) =	vsort.dscd.msk.f32 $0xffff, v51, v50;
	v50 =	vperm.xlane v53, v5;
	(erf) = vrcp.f32 v48  }
0x8f: {  	v54 =	vsel vm0, v49, v47;
	v46 =	vperm.xlane v46, v4;
	v48 =	vperm.xlane v52, v4;
	v49, _, _ =	vpop (xrf2)  }
0x90: {  	v51, v52, _ =	vpop (xrf1);
	(xrf1) =	vsort.dscd.msk.f32 $0xffff, v54, v45;
	v45 =	vsub.f32 v31, v50;
	v31 =	vmov v41  }
0x91: {  	v41 =	vsel vm0, v51, v46;
	v46 =	vsel vm0, v52, v48;
	v51 =	vsub.f32 v32, v50;
	v47 =	vpop (erf)  }
0x92: {  	v48 =	vsub.f32 v53, v50;
	v52 =	vsel vm0, v39, v40;
	v45 =	vmul.f32 $1.442695020e+00, v45;
	v40 =	vpop (erf)  }
0x93: {  	v49 =	vperm.xlane v49, v6;
	(xrf1) =	vsort.dscd.msk.f32 $0xffff, v41, v46;
	v41 =	vsub.f32 v34, v50;
	v46 =	vmul.f32 $1.442695020e+00, v51;
	v32, _, _ =	vpop (xrf2)  }
0x94: {  	s30 =	sadd.s32 $0x100, s30;
	s2 =	sshll.u32 s23, $0x7;
	s23 =	smov.u32 s29;
	v34 =	vadd.f32 v40, v47;
	(erf) = vpow2.f32 v45;
	(xrf1) =	vsort.dscd.msk.f32 $0xffff, v43, v52;
	v32 =	vperm.xlane v32, v6;
	v39 =	vpop (erf)  }
0x95: {  	v35 =	vsub.f32 v35, v50;
	v43 =	vpop (erf)  }
0x96: {  	s29 =	smov.u32 s28;
	s28 =	smov.u32 s26;
	s8 =	sadd.s32 $0x80, s2;
	v45 =	vld [tilespmem:s30+$0x30];
	v55 =	vmul.f32 v19, v39;
	v50 =	vmul.f32 v14, v39;
	v56 =	vadd.f32 v34, v43  }
0x97: {  	s26 =	smov.u32 s0;
	v54 =	vor.u32 s8, v0;
	v58 =	vmul.f32 v17, v39;
	v51 =	vld [tilespmem:s30+$0xFFFFFFB0];
	(erf) = vrcp.f32 v32;
	v14 =	vpop (erf)  }
0x98: {  	v53 =	vmul.f32 $1.442695020e+00, v35;
	v57 =	vmul.f32 v15, v39;
	v52 =	vld [tilespmem:s30+$0x20];
	[tilespmem:s21+$0x0] =	vst v55;
	v19 =	vpop (erf);
	v39 =	vadd.f32 v56, v14  }
0x99: {  	v48 =	vmul.f32 $1.442695020e+00, v48;
	v55 =	vld [tilespmem:s30+$0x10];
	[tilespmem:s21+$0x10] =	vst v58;
	v37 =	vmul.f32 v19, v37;
	v19 =	vmov v47  }
0x9a: {  	v35 =	vmovc v38;
	v17 =	vmovc v40;
	v15 =	vmov v43;
	v34 =	vmov v33;
	v32 =	vmov v30;
	[tilespmem:s21+$0x20] =	vst v57  }
0x9b: {  	v47 =	vld [tilespmem:s30+$0x0];
	(xrf1) =	vsort.dscd.msk.f32 $0xffff, v45, v3;
	v38, v40, _ =	vpop (xrf1);
	(erf) = vpow2.f32 v53;
	[tilespmem:s21+$0x30] =	vst v50  }
0x9c: {  	v33 =	vld [tilespmem:s30+$0xFFFFFFA0];
	(xrf2) =	vadd.scan.msk.f32 $0xffff, v39;
	(erf) = vpow2.f32 v44;
	v30 =	vmov v51  }
0x9d: {  	v43 =	vperm.xlane v38, v4;
	v38 =	vmul.f32 $1.442695020e+00, v41;
	[tilespmem:v54+s13+$0x0] =	vst.idx.msk $0xff, v8;
	v8 =	vmov v18;
	v44, v39, _ =	vpop (xrf1)  }
0x9e: {  	v18 =	vpop (erf);
	(erf) = vpow2.f32 v48;
	v48 =	vor.u32 s2, v0;
	[tilespmem:v54+s14+$0x0] =	vst.idx.msk $0xff, v37  }
0x9f: {  	(xrf1) =	vsort.dscd.msk.f32 $0xffff, v52, v2;
	v37, v41, _ =	vpop (xrf1);
	(erf) = vpow2.f32 v38  }
0xa0: {  	v38 =	vld [tilespmem:s30+$0xFFFFFF90];
	(xrf1) =	vsort.dscd.msk.f32 $0xffff, v30, v3;
	v37 =	vperm.xlane v37, v4;
	v50 =	vperm.xlane v41, v4;
	v51 =	vpop (erf)  }
0xa1: {  	v43 =	vsel vm0, v44, v43;
	(erf) = vpow2.f32 v46;
	[tilespmem:s21+$0xFFFFFF80] =	vst v20;
	v20 =	vmul.f32 v10, v51;
	v10 =	vmovc v18  }
0xa2: {  	v46 =	vmul.f32 v22, v51;
	v41 =	vld [tilespmem:s30+$0xFFFFFF80];
	(xrf1) =	vsort.dscd.msk.f32 $0xffff, v55, v1;
	v54, v44, _ =	vpop (xrf1);
	[tilespmem:s21+$0xFFFFFFA0] =	vst v21;
	v21 =	vmul.f32 v27, v51;
	s21 =	smov.u32 s22;
	s22 =	smov.u32 s24;
	s24 =	smov.u32 s25  }
0xa3: {  	s25 =	smov.u32 s30;
	(xrf1) =	vsort.dscd.msk.f32 $0xffff, v47, v0;
	v27 =	vsel vm0, v54, v37;
	v53, v18, _ =	vpop (xrf1);
	(erf) = vrcp.f32 v49;
	[tilespmem:v48+s13+$0x0] =	vst.idx.msk $0xff, v7  }
0xa4: {  	v29 =	vmul.f32 v29, v51;
	v7 =	vmov v9;
	v49 =	vperm.xlane v53, v5;
	v22 =	vpop (erf);
	[tilespmem:v48+s14+$0x0] =	vst.idx.msk $0xff, v36  }
0xa5: {  	v9 =	vsel vm0, v44, v50;
	(xrf1) =	vsort.dscd.msk.f32 $0xffff, v33, v2;
	v36 =	vadd.f32 v22, v10;
	[tilespmem:s21+$0xFFFFFF90] =	vst v46;
	v37 =	vpop (erf)  }
0xa6: {  	(xrf1) =	vsort.dscd.msk.f32 $0xffff, v27, v9;
	v9 =	vsub.f32 v28, v49;
	v46 =	vsub.f32 v24, v49;
	v44 =	vnsel vm0, $0x0, v37;
	v48, _, _ =	vpop (xrf2)  }
0xa7: {  	v16 =	vsub.f32 v16, v49;
	v11 =	vsub.f32 v11, v49;
	(xrf1) =	vsort.dscd.msk.f32 $0xffff, v38, v1;
	v50 =	vpop (erf);
	[tilespmem:s21+$0xFFFFFFB0] =	vst v29  }
0xa8: {  	v57 =	vsub.f32 v53, v49;
	v51 =	vmul.f32 $1.442695020e+00, v9;
	v54 =	vmul.f32 $1.442695020e+00, v46;
	v27 =	vpop (erf);
	(xrf2) =	vadd.scan.msk.f32 $0xffff, v44  }
0xa9: {  	v53 =	vmul.f32 $1.442695020e+00, v16;
	v46 =	vmul.f32 $1.442695020e+00, v11;
	(xrf1) =	vsort.dscd.msk.f32 $0xffff, v41, v0;
	v24, v28, _ =	vpop (xrf1);
	v58 =	vadd.f32 v36, v27  }
0xaa: {  	v48 =	vperm.xlane v48, v6;
	v49 =	vnsel vm0, $0x0, v50;
	v44 =	vmul.f32 $1.442695020e+00, v57;
	v29 =	vpop (erf)  }
0xab: {  	v9 =	vmovc v42;
	v11 =	vmovc v13;
	v13 =	vmov v45;
	v16 =	vmov v23;
	v56 =	vadd.f32 v58, v29  }
0xac: {  	v42 =	vperm.xlane v24, v4;
	v23 =	vmov v52;
	v24 =	vmov v25;
	(xrf2) =	vadd.scan.msk.f32 $0xffff, v49;
	v36 =	vpop (erf)  }
0xad: {  	v25 =	vmov v55;
	v49 =	vperm.xlane v28, v4;
	v28, v52, _ =	vpop (xrf1);
	v36 =	vmul.f32 v36, v12  }
0xae: {  	v55 =	vsel vm0, v28, v42;
	v57, v12, _ =	vpop (xrf1);
	v28 =	vmov v26;
	v26 =	vmov v47  }
.Ltmp0:
0xaf: {  	v58 =	vsel vm0, v52, v49;
	v45 =	vperm.xlane v12, v4;
	(erf) = vpow2.f32 v51;
	v12 =	vmovc v50;
	(pc) =	sbr.rel @p0 .LBB2_3-.Ltmp0, $4  }
0xb0: {  	v42, v47, _ =	vpop (xrf1);
	(xrf2) =	vadd.scan.msk.f32 $0xffff, v56;
	(erf) = vpow2.f32 v54  }
0xb1: {  	v54 =	vperm.xlane v42, v4;
	v42 =	vperm.xlane v47, v4;
	v51, v50, _ =	vpop (xrf1)  }
0xb2: {  	v47 =	vperm.xlane v57, v4;
	(erf) = vrcp.f32 v48;
	v48, _, _ =	vpop (xrf2)  }
0xb3: {  	v51 =	vsel vm0, v51, v54;
	v49, v52, _ =	vpop (xrf1);
	(xrf1) =	vsort.dscd.msk.f32 $0xffff, v55, v58;
	(erf) = vpow2.f32 v53;
	v48 =	vperm.xlane v48, v6  }
0xb4: {  	v47 =	vsel vm0, v49, v47  }
0xb5: {  	v50 =	vsel vm0, v50, v42;
	v53, v42, _ =	vpop (xrf1);
	v45 =	vsel vm0, v52, v45  }
0xb6: {  	v63, v54, _ =	vpop (xrf1)  }
0xb7: {  	(xrf1) =	vsort.dscd.msk.f32 $0xffff, v51, v50;
	v52 =	vperm.xlane v63, v4;
	v55 =	vperm.xlane v54, v4  }
0xb8: {  	(xrf1) =	vsort.dscd.msk.f32 $0xffff, v47, v45;
	v45, v47, _ =	vpop (xrf1)  }
0xb9: {  	v45 =	vsel vm0, v45, v52;
	v47 =	vsel vm0, v47, v55  }
0xba: {  	(erf) = vpow2.f32 v46;
	v56 =	vperm.xlane v53, v5;
	(xrf1) =	vsort.dscd.msk.f32 $0xffff, v45, v47;
	_ =	sdelay $0x1  }
0xbb: {  	v31 =	vsub.f32 v31, v56  }
0xbc: {  	v58 =	vperm.xlane v40, v4;
	v51, _, _ =	vpop (xrf2)  }
0xbd: {  	(erf) = vrcp.f32 v48;
	v35 =	vsub.f32 v35, v56;
	v31 =	vmul.f32 $1.442695020e+00, v31;
	v57, _, _ =	vpop (xrf2)  }
0xbe: {  	v61 =	vsel vm0, v39, v58;
	v40 =	vpop (erf);
	v59 =	vperm.xlane v57, v6  }
0xbf: {  	v60 =	vsub.f32 v53, v56;
	(erf) = vpow2.f32 v31;
	v31 =	vmul.f32 $1.442695020e+00, v35;
	v45 =	vpop (erf)  }
0xc0: {  	v34 =	vsub.f32 v34, v56;
	(xrf1) =	vsort.dscd.msk.f32 $0xffff, v43, v61;
	v49 =	vpop (erf);
	(erf) = vrcp.f32 v59  }
0xc1: {  	v62 =	vmul.f32 $1.442695020e+00, v60;
	v39 =	vpop (erf);
	(erf) = vpow2.f32 v31;
	v31 =	vsub.f32 v32, v56  }
0xc2: {  	v63 =	vmul.f32 $1.442695020e+00, v34;
	(erf) = vpow2.f32 v44;
	v46 =	vpop (erf)  }
0xc3: {  	(erf) = vpow2.f32 v62;
	v31 =	vmul.f32 $1.442695020e+00, v31;
	v52, v53, _ =	vpop (xrf1)  }
0xc4: {  	(erf) = vpow2.f32 v63;
	v54, v55, _ =	vpop (xrf1)  }
0xc5: {  	v57 =	vadd.f32 v45, v40;
	(erf) = vpow2.f32 v31;
	v50, v43, _ =	vpop (xrf1)  }
0xc6: {  	v56 =	vperm.xlane v50, v4;
	v50 =	vpop (erf);
	v35 =	vperm.xlane v43, v4  }
0xc7: {  	v34 =	vadd.f32 v57, v39;
	v58, v59, _ =	vpop (xrf1)  }
0xc8: {  	v31 =	vpop (erf);
	v32 =	vsel vm0, v58, v56;
	v35 =	vsel vm0, v59, v35  }
0xc9: {  	v60 =	vadd.f32 v34, v46;
	v44 =	vpop (erf);
	(xrf1) =	vsort.dscd.msk.f32 $0xffff, v32, v35  }
0xca: {  	v43 =	vpop (erf)  }
0xcb: {  	(xrf2) =	vadd.scan.msk.f32 $0xffff, v60;
	v48 =	vpop (erf)  }
0xcc: {  	v61 =	vadd.f32 v43, v31;
	v32 =	vpop (erf)  }
0xcd: {  	v34 =	vpop (erf)  }
0xce: {  	v58, v35, _ =	vpop (xrf1);
	v56 =	vadd.f32 v61, v34  }
0xcf: {  	v57 =	vnsel vm0, $0x0, v48;
	v47 =	vpop (erf);
	v59 =	vperm.xlane v58, v5  }
0xd0: {  	(xrf2) =	vadd.scan.msk.f32 $0xffff, v57;
	v62 =	vnsel vm0, $0x0, v32;
	v56 =	vadd.f32 v56, v47  }
0xd1: {  	(xrf2) =	vadd.scan.msk.f32 $0xffff, v62;
	v28 =	vsub.f32 v28, v59  }
0xd2: {  	(xrf2) =	vadd.scan.msk.f32 $0xffff, v56  }
0xd3: {  	v51 =	vperm.xlane v51, v6;
	v28 =	vmul.f32 $1.442695020e+00, v28  }
0xd4: {  	v24 =	vsub.f32 v24, v59  }
0xd5: {  	v52 =	vperm.xlane v52, v4;
	(erf) = vrcp.f32 v51;
	v63, _, _ =	vpop (xrf2);
	v16 =	vsub.f32 v16, v59  }
0xd6: {  	v51 =	vperm.xlane v63, v6;
	v24 =	vmul.f32 $1.442695020e+00, v24  }
0xd7: {  	v60 =	vsub.f32 v11, v59;
	v16 =	vmul.f32 $1.442695020e+00, v16;
	(erf) = vpow2.f32 v28;
	v28, v11, _ =	vpop (xrf1)  }
0xd8: {  	(erf) = vpow2.f32 v24;
	v24 =	vperm.xlane v28, v5  }
0xd9: {  	v53 =	vperm.xlane v53, v4;
	(erf) = vrcp.f32 v51  }
0xda: {  	v56 =	vmul.f32 $1.442695020e+00, v60;
	v61, _, _ =	vpop (xrf2);
	(erf) = vpow2.f32 v16;
	v16 =	vsub.f32 v41, v24  }
0xdb: {  	v53 =	vsel vm0, v55, v53;
	v51 =	vsel vm0, v54, v52;
	v52 =	vperm.xlane v61, v6;
	v54, _, _ =	vpop (xrf2)  }
0xdc: {  	(erf) = vpow2.f32 v56;
	v38 =	vsub.f32 v38, v24;
	v63, _, _ =	vpop (xrf2);
	v16 =	vmul.f32 $1.442695020e+00, v16  }
0xdd: {  	v62 =	vsub.f32 v58, v59;
	(erf) = vrcp.f32 v52;
	v60 =	vperm.xlane v63, v6  }
0xde: {  	v28 =	vsub.f32 v28, v24;
	(erf) = vpow2.f32 v16;
	v16 =	vmul.f32 $1.442695020e+00, v38  }
0xdf: {  	v61 =	vmul.f32 $1.442695020e+00, v62;
	(xrf1) =	vsort.dscd.msk.f32 $0xffff, v51, v53;
	v33 =	vsub.f32 v33, v24;
	(erf) = vrcp.f32 v60  }
0xe0: {  	v41 =	vpop (erf);
	v28 =	vmul.f32 $1.442695020e+00, v28;
	(erf) = vpow2.f32 v16  }
0xe1: {  	v51 =	vpop (erf);
	v16 =	vsub.f32 v30, v24;
	v24 =	vmul.f32 $1.442695020e+00, v33;
	(erf) = vpow2.f32 v61  }
0xe2: {  	v52 =	vpop (erf);
	(erf) = vpow2.f32 v28  }
0xe3: {  	v53 =	vpop (erf);
	v16 =	vmul.f32 $1.442695020e+00, v16;
	v28 =	vadd.f32 v52, v51;
	(erf) = vpow2.f32 v24  }
0xe4: {  	v55 =	vpop (erf)  }
0xe5: {  	v56 =	vpop (erf);
	v24 =	vadd.f32 v28, v55;
	(erf) = vpow2.f32 v16  }
0xe6: {  	v57 =	vpop (erf)  }
0xe7: {  	v24 =	vadd.f32 v24, v56;
	v16 =	vpop (erf)  }
0xe8: {  	v38 =	vpop (erf)  }
0xe9: {  	v33 =	vpop (erf)  }
0xea: {  	(xrf2) =	vadd.scan.msk.f32 $0xffff, v24;
	v58 =	vpop (erf)  }
0xeb: {  	v59 =	vadd.f32 v33, v16;
	v24 =	vpop (erf)  }
0xec: {  	v28 =	vpop (erf)  }
0xed: {  	v60, v30, _ =	vpop (xrf1);
	v59 =	vadd.f32 v59, v28  }
0xee: {  	v62 =	vnsel vm0, $0x0, v58;
	v63 =	vpop (erf)  }
0xef: {  	v61 =	vperm.xlane v60, v5;
	(xrf2) =	vadd.scan.msk.f32 $0xffff, v62;
	v62 =	vnsel vm0, $0x0, v24;
	v59 =	vadd.f32 v59, v63  }
0xf0: {  	(xrf2) =	vadd.scan.msk.f32 $0xffff, v62  }
0xf1: {  	v54 =	vperm.xlane v54, v6;
	v26 =	vsub.f32 v26, v61;
	(xrf2) =	vadd.scan.msk.f32 $0xffff, v59  }
0xf2: {  	v19 =	vmul.f32 v19, v49;
	v25 =	vsub.f32 v25, v61;
	v13 =	vsub.f32 v13, v61  }
0xf3: {  	v26 =	vmul.f32 $1.442695020e+00, v26;
	(erf) = vrcp.f32 v54  }
0xf4: {  	v23 =	vsub.f32 v23, v61;
	v25 =	vmul.f32 $1.442695020e+00, v25;
	v13 =	vmul.f32 $1.442695020e+00, v13;
	v62, _, _ =	vpop (xrf2)  }
0xf5: {  	(erf) = vpow2.f32 v26;
	v26 =	vperm.xlane v62, v6  }
0xf6: {  	v23 =	vmul.f32 $1.442695020e+00, v23;
	(erf) = vpow2.f32 v25  }
0xf7: {  	(erf) = vrcp.f32 v26  }
0xf8: {  	s0 =	sshll.u32 s23, $0x7;
	v17 =	vmul.f32 v17, v49;
	(erf) = vpow2.f32 v23  }
0xf9: {  	s2 =	sadd.s32 $0x80, s0;
	v15 =	vmul.f32 v15, v49;
	(erf) = vpow2.f32 v13;
	v13, _, _ =	vpop (xrf2)  }
0xfa: {  	[tilespmem:s21+$0x0] =	vst v19;
	v23 =	vor.u32 s2, v0;
	v19, _, _ =	vpop (xrf2);
	v13 =	vperm.xlane v13, v6  }
0xfb: {  	v14 =	vmul.f32 v14, v49;
	[tilespmem:s21+$0x10] =	vst v17;
	v17 =	vsub.f32 v60, v61;
	v25, _, _ =	vpop (xrf2)  }
0xfc: {  	[tilespmem:s21+$0x20] =	vst v15;
	v25 =	vperm.xlane v25, v6  }
0xfd: {  	[tilespmem:s21+$0x30] =	vst v14;
	v14 =	vor.u32 s0, v0;
	v17 =	vmul.f32 $1.442695020e+00, v17;
	v15 =	vpop (erf)  }
0xfe: {  	[tilespmem:s21+$0xFFFFFF80] =	vst v20;
	v26 =	vmul.f32 v50, v37;
	(erf) = vrcp.f32 v13;
	v13 =	vpop (erf)  }
0xff: {  	[tilespmem:v23+s13+$0x0] =	vst.idx.msk $0xff, v8;
	v8 =	vpop (erf)  }
0x100: {  	[tilespmem:v23+s14+$0x0] =	vst.idx.msk $0xff, v26;
	(erf) = vrcp.f32 v25;
	v23 =	vadd.f32 v8, v13;
	v25 =	vpop (erf)  }
0x101: {  	[tilespmem:s21+$0xFFFFFFA0] =	vst v21;
	(erf) = vpow2.f32 v17;
	v17 =	vpop (erf)  }
0x102: {  	[tilespmem:v14+s13+$0x0] =	vst.idx.msk $0xff, v7;
	v20 =	vadd.f32 v23, v17  }
0x103: {  	[tilespmem:v14+s14+$0x0] =	vst.idx.msk $0xff, v36;
	v21 =	vmul.f32 v22, v44;
	v7 =	vpop (erf)  }
0x104: {  	v22 =	vmul.f32 v29, v44;
	v14 =	vadd.f32 v20, v7;
	v20 =	vmul.f32 v40, v53  }
0x105: {  	v10 =	vmul.f32 v10, v44;
	[tilespmem:s22+$0xFFFFFF90] =	vst v21;
	v21 =	vmul.f32 v45, v53  }
0x106: {  	s31 =	sshll.u32 s29, $0x7;
	[tilespmem:s22+$0xFFFFFFB0] =	vst v22;
	(xrf2) =	vadd.scan.msk.f32 $0xffff, v14;
	v14 =	vmul.f32 v39, v53  }
0x107: {  	s8 =	sadd.s32 $0x80, s31;
	[tilespmem:s22+$0xFFFFFF80] =	vst v10  }
0x108: {  	v22 =	vor.u32 s8, v0;
	[tilespmem:s22+$0x0] =	vst v20;
	v20 =	vpop (erf)  }
0x109: {  	[tilespmem:s22+$0x10] =	vst v21;
	v23 =	vmul.f32 v46, v53;
	v21 =	vpop (erf)  }
0x10a: {  	v10 =	vmul.f32 v41, v12;
	v12 =	vmul.f32 v43, v38;
	[tilespmem:s22+$0x20] =	vst v14;
	v14 =	vpop (erf)  }
0x10b: {  	[tilespmem:s22+$0x30] =	vst v23;
	v23 =	vor.u32 s31, v0;
	v29 =	vnsel vm0, $0x0, v14  }
0x10c: {  	[tilespmem:s24+$0xFFFFFF90] =	vst v12;
	v12 =	vmul.f32 v51, v25;
	(xrf2) =	vadd.scan.msk.f32 $0xffff, v29  }
0x10d: {  	[tilespmem:v22+s13+$0x0] =	vst.idx.msk $0xff, v18;
	v18 =	vmul.f32 v27, v44  }
0x10e: {  	[tilespmem:s24+$0x0] =	vst v12  }
0x10f: {  	[tilespmem:s22+$0xFFFFFFA0] =	vst v18  }
0x110: {  	[tilespmem:v23+s13+$0x0] =	vst.idx.msk $0xff, v9;
	v9 =	vmul.f32 v47, v38  }
0x111: {  	s21 =	sshll.u32 s28, $0x7;
	v12 =	vmul.f32 v56, v25;
	[tilespmem:v23+s14+$0x0] =	vst.idx.msk $0xff, v10;
	v10 =	vperm.xlane v19, v6;
	v18, _, _ =	vpop (xrf2)  }
0x112: {  	s22 =	sadd.s32 $0x80, s21;
	[tilespmem:s24+$0xFFFFFFB0] =	vst v9;
	v9 =	vmul.f32 v52, v25;
	v18 =	vperm.xlane v18, v6  }
0x113: {  	v26 =	vmul.f32 v57, v48;
	v19 =	vor.u32 s22, v0;
	(erf) = vrcp.f32 v10  }
0x114: {  	[tilespmem:s24+$0x30] =	vst v12;
	(erf) = vrcp.f32 v18  }
0x115: {  	[tilespmem:v22+s14+$0x0] =	vst.idx.msk $0xff, v26;
	v10 =	vmul.f32 v55, v25  }
0x116: {  	[tilespmem:s24+$0x10] =	vst v9;
	v9, _, _ =	vpop (xrf2)  }
0x117: {  	v12 =	vor.u32 s21, v0;
	[tilespmem:s24+$0x20] =	vst v10;
	v10 =	vmul.f32 v20, v58;
	v9 =	vperm.xlane v9, v6  }
0x118: {  	v20 =	vmul.f32 v34, v38;
	[tilespmem:v19+s13+$0x0] =	vst.idx.msk $0xff, v35;
	v18 =	vmul.f32 v31, v38  }
0x119: {  	[tilespmem:v19+s14+$0x0] =	vst.idx.msk $0xff, v10;
	(erf) = vrcp.f32 v9;
	v9 =	vmul.f32 v15, v32  }
0x11a: {  	[tilespmem:s24+$0xFFFFFFA0] =	vst v20  }
0x11b: {  	[tilespmem:s24+$0xFFFFFF80] =	vst v18  }
0x11c: {  	v10 =	vmul.f32 v33, v21;
	[tilespmem:v12+s13+$0x0] =	vst.idx.msk $0xff, v42;
	v15 =	vpop (erf)  }
0x11d: {  	v18 =	vmul.f32 v63, v21;
	[tilespmem:v12+s14+$0x0] =	vst.idx.msk $0xff, v9;
	v9 =	vpop (erf)  }
0x11e: {  	s23 =	sshll.u32 s26, $0x7;
	[tilespmem:s25+$0xFFFFFF90] =	vst v10;
	v10 =	vmul.f32 v13, v9  }
0x11f: {  	s24 =	sadd.s32 $0x80, s23;
	[tilespmem:s25+$0xFFFFFFB0] =	vst v18;
	v8 =	vmul.f32 v8, v9  }
0x120: {  	v12 =	vor.u32 s24, v0;
	v7 =	vmul.f32 v7, v9;
	[tilespmem:s25+$0x0] =	vst v10  }
0x121: {  	v10 =	vmul.f32 v17, v9;
	[tilespmem:s25+$0x10] =	vst v8  }
0x122: {  	[tilespmem:s25+$0x30] =	vst v7;
	v9 =	vmul.f32 v16, v21  }
0x123: {  	v7 =	vor.u32 s23, v0;
	[tilespmem:s25+$0x20] =	vst v10  }
0x124: {  	v8 =	vpop (erf);
	v10 =	vmul.f32 v28, v21;
	[tilespmem:s25+$0xFFFFFF80] =	vst v9  }
0x125: {  	v8 =	vmul.f32 v8, v14;
	[tilespmem:v12+s13+$0x0] =	vst.idx.msk $0xff, v30  }
0x126: {  	[tilespmem:s25+$0xFFFFFFA0] =	vst v10  }
0x127: {  	[tilespmem:v12+s14+$0x0] =	vst.idx.msk $0xff, v8;
	v8 =	vmul.f32 v15, v24  }
0x128: {  	[tilespmem:v7+s13+$0x0] =	vst.idx.msk $0xff, v11  }
0x129: {  	s25 =	sadd.s32 s5, s20;
	[tilespmem:v7+s14+$0x0] =	vst.idx.msk $0xff, v8  }
0x12a: {  	[hbm4b:s25+s1] =	stream.linear.scatter [tilespmem:s1], [sflag:$0x3], $0x4000, $0x38;
	[tilespmem:$0x10000] =	vst v63  }
0x12b: {  	_ =	swait.ge [sflag:s15], $0x4000  }
0x12c: {  	[sflag:s15] =	ssyncset.done $0x0  }
0x12d: {  	s26 =	sadd.s32 s4, s20;
	[sflag:s15] =	ssyncadd.s32 $0xFFFFC000  }
0x12e: {  	[hbm4b:s26+s1] =	stream.linear.scatter [tilespmem:s13], [sflag:$0x3], $0x4000, $0x38;
	[tilespmem:$0x10000] =	vst v63  }
0x12f: {  	_ =	swait.ge [sflag:s15], $0x4000  }
0x130: {  	[sflag:s15] =	ssyncset.done $0x0  }
0x131: {  	s31 =	sadd.s32 s7, s20;
	[sflag:s15] =	ssyncadd.s32 $0xFFFFC000  }
0x132: {  	[hbm4b:s31+s1] =	stream.linear.scatter [tilespmem:s14], [sflag:$0x3], $0x4000, $0x38;
	[tilespmem:$0x10000] =	vst v63  }
0x133: {  	_ =	swait.ge [sflag:s15], $0x4000  }
0x134: {  	p0 =	seq.s32 s18, $0x3;
	[sflag:s15] =	ssyncset.done $0x0  }
0x135: {  	s0 =	sadd.s32 @!p0 s20, s9;
	s2 =	simm.s32 @!p0 $0x0;
	[sflag:s15] =	ssyncadd.s32 $0xFFFFC000  }
0x136: {  	[tilespmem:s2], [sflag:$0x1] =	stream.linear.gather @!p0 [hbm4b:s0+s2], $0x4000, $0x38;
	[tilespmem:$0x10000] =	vst v63  }
0x137: {  	_ =	swait.ge [sflag:s16], $0x4000  }
0x138: {  	[sflag:s16] =	ssyncset.done $0x0  }
0x139: {  	s20 =	simm.s32 $0x4080;
	[sflag:s16] =	ssyncadd.s32 $0xFFFFC000  }
0x13a: {  	v9 =	vld [tilespmem:s20+$0x30]  }
0x13b: {  	v13 =	vld [tilespmem:s20+$0x20]  }
0x13c: {  	v8 =	vld [tilespmem:s20+$0xFFFFFFB0]  }
0x13d: {  	v15 =	vld [tilespmem:s20+$0x10];
	_ =	sdelay $0x1  }
0x13e: {  	(xrf1) =	vsort.dscd.msk.f32 $0xffff, v9, v3  }
0x13f: {  	(xrf1) =	vsort.dscd.msk.f32 $0xffff, v13, v2  }
0x140: {  	v17 =	vld [tilespmem:s20+$0x0];
	(xrf1) =	vsort.dscd.msk.f32 $0xffff, v8, v3  }
0x141: {  	v20 =	vld [tilespmem:s20+$0xFFFFFFA0];
	(xrf1) =	vsort.dscd.msk.f32 $0xffff, v15, v1  }
0x142: {  	v16 =	vld [tilespmem:s20+$0xFFFFFF90];
	_ =	sdelay $0x1  }
0x143: {  	v11 =	vld [tilespmem:s20+$0xFFFFFF80]  }
0x144: {  	(xrf1) =	vsort.dscd.msk.f32 $0xffff, v17, v0  }
0x145: {  	(xrf1) =	vsort.dscd.msk.f32 $0xffff, v20, v2  }
0x146: {  	(xrf1) =	vsort.dscd.msk.f32 $0xffff, v16, v1;
	_ =	sdelay $0x1  }
0x147: {  	(xrf1) =	vsort.dscd.msk.f32 $0xffff, v11, v0;
	_ =	sdelay $0x2  }
0x148: {  	v7, v10, _ =	vpop (xrf1)  }
0x149: {  	v12, v14, _ =	vpop (xrf1)  }
0x14a: {  	v7 =	vperm.xlane v7, v4;
	v18, v19, _ =	vpop (xrf1)  }
0x14b: {  	v21, v22, _ =	vpop (xrf1)  }
0x14c: {  	v7 =	vsel vm0, v12, v7;
	v12 =	vperm.xlane v21, v4;
	v21 =	vperm.xlane v22, v4  }
0x14d: {  	v10 =	vperm.xlane v10, v4;
	v19 =	vperm.xlane v19, v4;
	_ =	sdelay $0x1  }
0x14e: {  	v10 =	vsel vm0, v14, v10;
	v18 =	vperm.xlane v18, v4;
	v14, v22, _ =	vpop (xrf1)  }
0x14f: {  	v12 =	vsel vm0, v14, v12;
	v14, v23, _ =	vpop (xrf1);
	(xrf1) =	vsort.dscd.msk.f32 $0xffff, v7, v10  }
0x150: {  	v7 =	vsel vm0, v22, v21;
	v10 =	vsel vm0, v23, v19;
	v14 =	vsel vm0, v14, v18;
	v19, v21, _ =	vpop (xrf1)  }
0x151: {  	(xrf1) =	vsort.dscd.msk.f32 $0xffff, v12, v7;
	v7 =	vperm.xlane v19, v4;
	v12 =	vperm.xlane v21, v4  }
0x152: {  	(xrf1) =	vsort.dscd.msk.f32 $0xffff, v14, v10;
	v18, v19, _ =	vpop (xrf1)  }
0x153: {  	v7 =	vsel vm0, v18, v7;
	v10 =	vsel vm0, v19, v12  }
0x154: {  	(xrf1) =	vsort.dscd.msk.f32 $0xffff, v7, v10;
	_ =	sdelay $0x2  }
0x155: {  	s21 =	simm.s32 $0x4180  }
0x156: {  	v27 =	vld [tilespmem:s21+$0x30];
	_ =	sdelay $0x1  }
0x157: {  	v29 =	vld [tilespmem:s21+$0x20]  }
0x158: {  	v10 =	vld [tilespmem:s21+$0xFFFFFFB0]  }
0x159: {  	v12 =	vld [tilespmem:s21+$0x10]  }
0x15a: {  	v36 =	vld [tilespmem:s21+$0x0];
	(xrf1) =	vsort.dscd.msk.f32 $0xffff, v27, v3  }
0x15b: {  	v18 =	vld [tilespmem:s21+$0xFFFFFFA0];
	v21, v22, _ =	vpop (xrf1)  }
0x15c: {  	(xrf1) =	vsort.dscd.msk.f32 $0xffff, v29, v2;
	v23, v24, _ =	vpop (xrf1)  }
0x15d: {  	v14 =	vld [tilespmem:s21+$0xFFFFFF90];
	(xrf1) =	vsort.dscd.msk.f32 $0xffff, v10, v3;
	v7, v19, _ =	vpop (xrf1)  }
0x15e: {  	(xrf1) =	vsort.dscd.msk.f32 $0xffff, v12, v1;
	v7 =	vperm.xlane v7, v4;
	v25 =	vperm.xlane v19, v4  }
0x15f: {  	(xrf1) =	vsort.dscd.msk.f32 $0xffff, v36, v0;
	v19 =	vld [tilespmem:s21+$0xFFFFFF80];
	v26, v28, _ =	vpop (xrf1)  }
0x160: {  	(xrf1) =	vsort.dscd.msk.f32 $0xffff, v18, v2;
	v7 =	vsel vm0, v26, v7;
	v25 =	vsel vm0, v28, v25  }
0x161: {  	(xrf1) =	vsort.dscd.msk.f32 $0xffff, v7, v25  }
0x162: {  	(xrf1) =	vsort.dscd.msk.f32 $0xffff, v14, v1;
	_ =	sdelay $0x1  }
0x163: {  	(xrf1) =	vsort.dscd.msk.f32 $0xffff, v19, v0;
	_ =	sdelay $0x3  }
0x164: {  	v7, v25, _ =	vpop (xrf1)  }
0x165: {  	v7 =	vperm.xlane v7, v4  }
0x166: {  	v26, v28, _ =	vpop (xrf1)  }
0x167: {  	v30, v31, _ =	vpop (xrf1);
	v7 =	vsel vm0, v26, v7  }
0x168: {  	v25 =	vperm.xlane v25, v4;
	v43, v44, _ =	vpop (xrf1)  }
0x169: {  	v31 =	vperm.xlane v31, v4;
	v26 =	vperm.xlane v43, v4;
	v47, v46, _ =	vpop (xrf1)  }
0x16a: {  	v25 =	vsel vm0, v28, v25;
	v28 =	vperm.xlane v30, v4;
	v45 =	vperm.xlane v44, v4;
	v30, v48, _ =	vpop (xrf1)  }
0x16b: {  	(xrf1) =	vsort.dscd.msk.f32 $0xffff, v7, v25;
	v26 =	vsel vm0, v47, v26;
	v49, v7, _ =	vpop (xrf1)  }
0x16c: {  	v25 =	vsel vm0, v46, v45;
	v31 =	vsel vm0, v48, v31;
	v28 =	vsel vm0, v30, v28;
	v50, v51, _ =	vpop (xrf1)  }
0x16d: {  	(xrf1) =	vsort.dscd.msk.f32 $0xffff, v26, v25;
	v25 =	vperm.xlane v50, v4;
	v26 =	vperm.xlane v51, v4  }
0x16e: {  	(xrf1) =	vsort.dscd.msk.f32 $0xffff, v28, v31;
	v30, v52, _ =	vpop (xrf1)  }
0x16f: {  	v25 =	vsel vm0, v30, v25;
	v26 =	vsel vm0, v52, v26  }
0x170: {  	(xrf1) =	vsort.dscd.msk.f32 $0xffff, v25, v26  }
0x171: {  	v21 =	vperm.xlane v21, v4;
	v25 =	vperm.xlane v49, v5  }
0x172: {  	v22 =	vperm.xlane v22, v4  }
0x173: {  	s22 =	simm.s32 $0x4280;
	v21 =	vsel vm0, v23, v21;
	v23 =	vsub.f32 v11, v25  }
0x174: {  	v22 =	vsel vm0, v24, v22;
	v11 =	vld [tilespmem:s22+$0x30]  }
0x175: {  	(xrf1) =	vsort.dscd.msk.f32 $0xffff, v21, v22;
	v22 =	vsub.f32 v16, v25;
	v21 =	vmul.f32 $1.442695020e+00, v23  }
0x176: {  	v23 =	vsub.f32 v49, v25  }
0x177: {  	v16 =	vld [tilespmem:s22+$0x20];
	v20 =	vsub.f32 v20, v25;
	(erf) = vpow2.f32 v21;
	v21 =	vmul.f32 $1.442695020e+00, v22  }
0x178: {  	v32 =	vld [tilespmem:s22+$0xFFFFFFB0];
	v8 =	vsub.f32 v8, v25;
	v22 =	vmul.f32 $1.442695020e+00, v23  }
0x179: {  	v24 =	vld [tilespmem:s22+$0x10];
	v20 =	vmul.f32 $1.442695020e+00, v20;
	(xrf1) =	vsort.dscd.msk.f32 $0xffff, v11, v3  }
0x17a: {  	v28 =	vld [tilespmem:s22+$0x0];
	v8 =	vmul.f32 $1.442695020e+00, v8;
	v23, v25, _ =	vpop (xrf1);
	(erf) = vpow2.f32 v21  }
0x17b: {  	v34 =	vld [tilespmem:s22+$0xFFFFFFA0];
	(erf) = vpow2.f32 v22;
	v21, v26, _ =	vpop (xrf1)  }
0x17c: {  	(xrf1) =	vsort.dscd.msk.f32 $0xffff, v16, v2;
	(erf) = vpow2.f32 v20;
	v22, v30, _ =	vpop (xrf1)  }
0x17d: {  	v35 =	vld [tilespmem:s22+$0xFFFFFF90];
	(xrf1) =	vsort.dscd.msk.f32 $0xffff, v32, v3;
	v20 =	vperm.xlane v22, v4;
	v22 =	vperm.xlane v30, v4  }
0x17e: {  	(xrf1) =	vsort.dscd.msk.f32 $0xffff, v24, v1;
	(erf) = vpow2.f32 v8;
	v8, v30, _ =	vpop (xrf1)  }
0x17f: {  	v31 =	vld [tilespmem:s22+$0xFFFFFF80];
	(xrf1) =	vsort.dscd.msk.f32 $0xffff, v28, v0;
	v8 =	vsel vm0, v8, v20;
	v20 =	vsel vm0, v30, v22  }
0x180: {  	(xrf1) =	vsort.dscd.msk.f32 $0xffff, v34, v2  }
0x181: {  	(xrf1) =	vsort.dscd.msk.f32 $0xffff, v8, v20  }
0x182: {  	(xrf1) =	vsort.dscd.msk.f32 $0xffff, v35, v1;
	v20 =	vpop (erf)  }
0x183: {  	v22, v8, _ =	vpop (xrf1)  }
0x184: {  	v41 =	vpop (erf);
	(xrf1) =	vsort.dscd.msk.f32 $0xffff, v31, v0;
	v30 =	vperm.xlane v22, v5  }
0x185: {  	v42 =	vpop (erf)  }
0x186: {  	v53 =	vadd.f32 v41, v20;
	v43 =	vpop (erf);
	v9 =	vsub.f32 v9, v30  }
0x187: {  	v56, v55, _ =	vpop (xrf1);
	v17 =	vsub.f32 v17, v30;
	v15 =	vsub.f32 v15, v30  }
0x188: {  	v33 =	vadd.f32 v53, v43;
	v13 =	vsub.f32 v13, v30;
	v38 =	vperm.xlane v56, v4  }
0x189: {  	v54 =	vnsel vm0, $0x0, v42;
	v44 =	vpop (erf);
	v17 =	vmul.f32 $1.442695020e+00, v17;
	v15 =	vmul.f32 $1.442695020e+00, v15  }
0x18a: {  	v33 =	vadd.f32 v33, v44;
	v13 =	vmul.f32 $1.442695020e+00, v13;
	v57 =	vmul.f32 $1.442695020e+00, v9;
	v9, v58, _ =	vpop (xrf1)  }
0x18b: {  	(xrf2) =	vadd.scan.msk.f32 $0xffff, v54;
	(erf) = vpow2.f32 v17;
	v17 =	vperm.xlane v55, v4;
	v59, v60, _ =	vpop (xrf1);
	v9 =	vsel vm0, v9, v38  }
0x18c: {  	(xrf2) =	vadd.scan.msk.f32 $0xffff, v33;
	(erf) = vpow2.f32 v15;
	v61, v62, _ =	vpop (xrf1);
	v46 =	vperm.xlane v60, v4  }
0x18d: {  	v50 =	vperm.xlane v59, v4;
	v15 =	vperm.xlane v61, v4;
	v48, v49, _ =	vpop (xrf1)  }
0x18e: {  	v17 =	vsel vm0, v58, v17;
	(erf) = vpow2.f32 v13;
	v63 =	vperm.xlane v62, v4;
	v52, v51, _ =	vpop (xrf1)  }
0x18f: {  	(erf) = vpow2.f32 v57;
	(xrf1) =	vsort.dscd.msk.f32 $0xffff, v9, v17;
	v15 =	vsel vm0, v48, v15;
	v53, v9, _ =	vpop (xrf1)  }
0x190: {  	v13 =	vsel vm0, v49, v63;
	v17 =	vsel vm0, v51, v46;
	v57 =	vsel vm0, v52, v50;
	v55, v54, _ =	vpop (xrf1)  }
0x191: {  	(xrf1) =	vsort.dscd.msk.f32 $0xffff, v15, v13;
	v56 =	vperm.xlane v53, v5;
	v13 =	vperm.xlane v55, v4  }
0x192: {  	v23 =	vperm.xlane v23, v4;
	v15 =	vperm.xlane v54, v4;
	v58, v59, _ =	vpop (xrf1);
	(xrf1) =	vsort.dscd.msk.f32 $0xffff, v57, v17  }
0x193: {  	v25 =	vperm.xlane v25, v4;
	v17 =	vsub.f32 v19, v56;
	v13 =	vsel vm0, v58, v13  }
0x194: {  	v15 =	vsel vm0, v59, v15  }
0x195: {  	v21 =	vsel vm0, v21, v23;
	v60, _, _ =	vpop (xrf2);
	v23 =	vmul.f32 $1.442695020e+00, v17;
	v17 =	vsel vm0, v26, v25;
	(xrf1) =	vsort.dscd.msk.f32 $0xffff, v13, v15  }
0x196: {  	v13, _, _ =	vpop (xrf2)  }
0x197: {  	v19 =	vpop (erf);
	(xrf1) =	vsort.dscd.msk.f32 $0xffff, v21, v17;
	v21 =	vperm.xlane v13, v6  }
0x198: {  	s29 =	simm.s32 $0x4380;
	v14 =	vsub.f32 v14, v56;
	v17 =	vpop (erf);
	(erf) = vpow2.f32 v23  }
0x199: {  	v13 =	vld [tilespmem:s29+$0x30];
	v23 =	vadd.f32 v17, v19;
	v15 =	vpop (erf);
	(erf) = vrcp.f32 v21  }
0x19a: {  	v22 =	vsub.f32 v22, v30  }
0x19b: {  	v25 =	vmul.f32 $1.442695020e+00, v14;
	v21 =	vadd.f32 v23, v15;
	v23 =	vld [tilespmem:s29+$0x20]  }
0x19c: {  	v30 =	vld [tilespmem:s29+$0xFFFFFFB0];
	v22 =	vmul.f32 $1.442695020e+00, v22;
	v26 =	vsub.f32 v53, v56;
	v14 =	vpop (erf)  }
0x19d: {  	(erf) = vpow2.f32 v25;
	v25 =	vld [tilespmem:s29+$0x10];
	v21 =	vadd.f32 v21, v14  }
0x19e: {  	v18 =	vsub.f32 v18, v56;
	(erf) = vpow2.f32 v22;
	v22 =	vmul.f32 $1.442695020e+00, v26;
	v26 =	vld [tilespmem:s29+$0x0];
	(xrf1) =	vsort.dscd.msk.f32 $0xffff, v13, v3;
	v61, v40, _ =	vpop (xrf1)  }
0x19f: {  	v33 =	vld [tilespmem:s29+$0xFFFFFFA0];
	(xrf2) =	vadd.scan.msk.f32 $0xffff, v21;
	v21 =	vsub.f32 v10, v56;
	v45, v39, _ =	vpop (xrf1)  }
0x1a0: {  	v18 =	vmul.f32 $1.442695020e+00, v18;
	(erf) = vpow2.f32 v22;
	(xrf1) =	vsort.dscd.msk.f32 $0xffff, v23, v2;
	v46, v47, _ =	vpop (xrf1)  }
0x1a1: {  	v22 =	vperm.xlane v60, v6;
	v10 =	vpop (erf);
	v21 =	vmul.f32 $1.442695020e+00, v21;
	(xrf1) =	vsort.dscd.msk.f32 $0xffff, v30, v3  }
0x1a2: {  	(erf) = vpow2.f32 v18;
	v46 =	vperm.xlane v46, v4;
	(xrf1) =	vsort.dscd.msk.f32 $0xffff, v25, v1;
	v62 =	vpop (erf)  }
0x1a3: {  	v38 =	vld [tilespmem:s29+$0xFFFFFF90];
	v47 =	vperm.xlane v47, v4;
	(erf) = vpow2.f32 v21;
	v63, v57, _ =	vpop (xrf1);
	(xrf1) =	vsort.dscd.msk.f32 $0xffff, v26, v0  }
0x1a4: {  	(erf) = vrcp.f32 v22;
	(xrf1) =	vsort.dscd.msk.f32 $0xffff, v33, v2;
	v20 =	vmul.f32 v20, v62  }
0x1a5: {  	v58, v18, _ =	vpop (xrf1);
	v55 =	vmul.f32 v41, v62;
	v21 =	vmul.f32 v43, v62;
	v43 =	vsel vm0, v63, v46;
	v41 =	vld [tilespmem:s29+$0xFFFFFF80]  }
0x1a6: {  	v22 =	vpop (erf);
	v48 =	vmul.f32 v44, v62;
	v62 =	vsel vm0, v57, v47;
	v59 =	vperm.xlane v58, v5  }
0x1a7: {  	v52 =	vperm.xlane v61, v4;
	v37 =	vpop (erf);
	(xrf1) =	vsort.dscd.msk.f32 $0xffff, v43, v62  }
0x1a8: {  	v60 =	vnsel vm0, $0x0, v37;
	(xrf1) =	vsort.dscd.msk.f32 $0xffff, v38, v1;
	v36 =	vsub.f32 v36, v59;
	v61 =	vsub.f32 v12, v59  }
0x1a9: {  	v29 =	vsub.f32 v29, v59;
	v63 =	vsub.f32 v27, v59;
	v49, _, _ =	vpop (xrf2);
	(xrf2) =	vadd.scan.msk.f32 $0xffff, v60  }
0x1aa: {  	v12 =	vpop (erf);
	v54 =	vmul.f32 $1.442695020e+00, v61;
	v60 =	vsub.f32 v58, v59;
	v61 =	vadd.f32 v22, v10;
	(xrf1) =	vsort.dscd.msk.f32 $0xffff, v41, v0  }
0x1ab: {  	v50 =	vmul.f32 $1.442695020e+00, v36;
	v46 =	vmul.f32 $1.442695020e+00, v63;
	v27 =	vpop (erf)  }
0x1ac: {  	v51, v53, _ =	vpop (xrf1);
	v44 =	vmul.f32 $1.442695020e+00, v60;
	v63 =	vadd.f32 v61, v27;
	v60 =	vnsel vm0, $0x0, v12  }
0x1ad: {  	v57 =	vmul.f32 $1.442695020e+00, v29;
	v29 =	vpop (erf);
	(xrf2) =	vadd.scan.msk.f32 $0xffff, v60  }
0x1ae: {  	v43 =	vsel vm0, v45, v52;
	v52 =	vperm.xlane v49, v6;
	(erf) = vpow2.f32 v50;
	v62 =	vpop (erf)  }
0x1af: {  	v58 =	vperm.xlane v51, v4;
	v51 =	vperm.xlane v53, v4;
	v50 =	vadd.f32 v63, v29;
	v59, v53, _ =	vpop (xrf1)  }
0x1b0: {  	[tilespmem:s20+$0xFFFFFF90] =	vst v55;
	(erf) = vpow2.f32 v54;
	v55, v61, _ =	vpop (xrf1)  }
0x1b1: {  	(erf) = vrcp.f32 v52;
	v36 =	vmul.f32 v62, v42;
	(xrf2) =	vadd.scan.msk.f32 $0xffff, v50;
	v62, v63, _ =	vpop (xrf1)  }
0x1b2: {  	v60 =	vsel vm0, v59, v58;
	v45 =	vperm.xlane v61, v4;
	v61 =	vperm.xlane v62, v4;
	v62, v49, _ =	vpop (xrf1)  }
0x1b3: {  	s30 =	simm.s32 $0x8;
	s28 =	simm.s32 $0x0;
	s24 =	simm.s32 $0x6;
	[tilespmem:s20+$0xFFFFFFB0] =	vst v48;
	v53 =	vsel vm0, v53, v51;
	v47 =	vperm.xlane v55, v4;
	v42 =	vperm.xlane v63, v4;
	v63, _, _ =	vpop (xrf2)  }
0x1b4: {  	s23 =	simm.s32 $0x4380;
	s25 =	simm.s32 $0x4;
	s26 =	simm.s32 $0x2;
	(erf) = vpow2.f32 v57;
	v50, v52, _ =	vpop (xrf1);
	(xrf1) =	vsort.dscd.msk.f32 $0xffff, v60, v53;
	v51 =	vsel vm0, v62, v61;
	v48 =	vperm.xlane v63, v6  }
.LBB2_5:
0x1b5: {  	p0 =	slt.u32 s30, $0x7E;
	v49 =	vsel vm0, v49, v42;
	v53, v42, _ =	vpop (xrf1);
	(erf) = vpow2.f32 v46;
	s0 =	smov.u32 s30;
	s30 =	sadd.s32 $0x2, s30;
	v40 =	vperm.xlane v40, v4  }
0x1b6: {  	v45 =	vsel vm0, v52, v45;
	v46, v52, _ =	vpop (xrf1);
	(xrf1) =	vsort.dscd.msk.f32 $0xffff, v51, v49;
	v49 =	vperm.xlane v53, v5;
	(erf) = vrcp.f32 v48  }
0x1b7: {  	v54 =	vsel vm0, v50, v47;
	v46 =	vperm.xlane v46, v4;
	v48 =	vperm.xlane v52, v4;
	v50, _, _ =	vpop (xrf2)  }
0x1b8: {  	v51, v52, _ =	vpop (xrf1);
	(xrf1) =	vsort.dscd.msk.f32 $0xffff, v54, v45;
	v45 =	vsub.f32 v31, v49;
	v31 =	vmov v41  }
0x1b9: {  	v41 =	vsel vm0, v51, v46;
	v46 =	vsel vm0, v52, v48;
	v51 =	vsub.f32 v32, v49;
	v47 =	vpop (erf)  }
0x1ba: {  	v48 =	vsub.f32 v53, v49;
	v52 =	vsel vm0, v39, v40;
	v45 =	vmul.f32 $1.442695020e+00, v45;
	v40 =	vpop (erf)  }
0x1bb: {  	v50 =	vperm.xlane v50, v6;
	(xrf1) =	vsort.dscd.msk.f32 $0xffff, v41, v46;
	v41 =	vsub.f32 v34, v49;
	v46 =	vmul.f32 $1.442695020e+00, v51;
	v32, _, _ =	vpop (xrf2)  }
0x1bc: {  	s29 =	sadd.s32 $0x100, s29;
	s2 =	sshll.u32 s28, $0x7;
	s28 =	smov.u32 s26;
	v34 =	vadd.f32 v40, v47;
	(erf) = vpow2.f32 v45;
	(xrf1) =	vsort.dscd.msk.f32 $0xffff, v43, v52;
	v32 =	vperm.xlane v32, v6;
	v39 =	vpop (erf)  }
0x1bd: {  	v35 =	vsub.f32 v35, v49;
	v43 =	vpop (erf)  }
0x1be: {  	s26 =	smov.u32 s25;
	s25 =	smov.u32 s24;
	s8 =	sadd.s32 $0x80, s2;
	v45 =	vld [tilespmem:s29+$0x30];
	v55 =	vmul.f32 v19, v39;
	v49 =	vmul.f32 v14, v39;
	v56 =	vadd.f32 v34, v43  }
0x1bf: {  	s24 =	smov.u32 s0;
	v54 =	vor.u32 s8, v0;
	v58 =	vmul.f32 v17, v39;
	v51 =	vld [tilespmem:s29+$0xFFFFFFB0];
	(erf) = vrcp.f32 v32;
	v14 =	vpop (erf)  }
0x1c0: {  	v53 =	vmul.f32 $1.442695020e+00, v35;
	v57 =	vmul.f32 v15, v39;
	v52 =	vld [tilespmem:s29+$0x20];
	[tilespmem:s20+$0x0] =	vst v55;
	v19 =	vpop (erf);
	v39 =	vadd.f32 v56, v14  }
0x1c1: {  	v48 =	vmul.f32 $1.442695020e+00, v48;
	v55 =	vld [tilespmem:s29+$0x10];
	[tilespmem:s20+$0x10] =	vst v58;
	v37 =	vmul.f32 v19, v37;
	v19 =	vmov v47  }
0x1c2: {  	v35 =	vmovc v38;
	v17 =	vmovc v40;
	v15 =	vmov v43;
	v34 =	vmov v33;
	v32 =	vmov v30;
	[tilespmem:s20+$0x20] =	vst v57  }
0x1c3: {  	v47 =	vld [tilespmem:s29+$0x0];
	(xrf1) =	vsort.dscd.msk.f32 $0xffff, v45, v3;
	v38, v40, _ =	vpop (xrf1);
	(erf) = vpow2.f32 v53;
	[tilespmem:s20+$0x30] =	vst v49  }
0x1c4: {  	v33 =	vld [tilespmem:s29+$0xFFFFFFA0];
	(xrf2) =	vadd.scan.msk.f32 $0xffff, v39;
	(erf) = vpow2.f32 v44;
	v30 =	vmov v51  }
0x1c5: {  	v43 =	vperm.xlane v38, v4;
	v38 =	vmul.f32 $1.442695020e+00, v41;
	[tilespmem:v54+s13+$0x0] =	vst.idx.msk $0xff, v8;
	v8 =	vmov v18;
	v44, v39, _ =	vpop (xrf1)  }
0x1c6: {  	v18 =	vpop (erf);
	(erf) = vpow2.f32 v48;
	v48 =	vor.u32 s2, v0;
	[tilespmem:v54+s14+$0x0] =	vst.idx.msk $0xff, v37  }
0x1c7: {  	(xrf1) =	vsort.dscd.msk.f32 $0xffff, v52, v2;
	v37, v41, _ =	vpop (xrf1);
	(erf) = vpow2.f32 v38  }
0x1c8: {  	v38 =	vld [tilespmem:s29+$0xFFFFFF90];
	(xrf1) =	vsort.dscd.msk.f32 $0xffff, v30, v3;
	v37 =	vperm.xlane v37, v4;
	v49 =	vperm.xlane v41, v4;
	v51 =	vpop (erf)  }
0x1c9: {  	v43 =	vsel vm0, v44, v43;
	(erf) = vpow2.f32 v46;
	[tilespmem:s20+$0xFFFFFF80] =	vst v20;
	v20 =	vmul.f32 v10, v51;
	v10 =	vmovc v18  }
0x1ca: {  	v46 =	vmul.f32 v22, v51;
	v41 =	vld [tilespmem:s29+$0xFFFFFF80];
	(xrf1) =	vsort.dscd.msk.f32 $0xffff, v55, v1;
	v54, v44, _ =	vpop (xrf1);
	[tilespmem:s20+$0xFFFFFFA0] =	vst v21;
	v21 =	vmul.f32 v27, v51;
	s20 =	smov.u32 s21;
	s21 =	smov.u32 s22;
	s22 =	smov.u32 s23  }
0x1cb: {  	s23 =	smov.u32 s29;
	(xrf1) =	vsort.dscd.msk.f32 $0xffff, v47, v0;
	v27 =	vsel vm0, v54, v37;
	v53, v18, _ =	vpop (xrf1);
	(erf) = vrcp.f32 v50;
	[tilespmem:v48+s13+$0x0] =	vst.idx.msk $0xff, v7  }
0x1cc: {  	v29 =	vmul.f32 v29, v51;
	v7 =	vmov v9;
	v50 =	vperm.xlane v53, v5;
	v22 =	vpop (erf);
	[tilespmem:v48+s14+$0x0] =	vst.idx.msk $0xff, v36  }
0x1cd: {  	v9 =	vsel vm0, v44, v49;
	(xrf1) =	vsort.dscd.msk.f32 $0xffff, v33, v2;
	v36 =	vadd.f32 v22, v10;
	[tilespmem:s20+$0xFFFFFF90] =	vst v46;
	v37 =	vpop (erf)  }
0x1ce: {  	(xrf1) =	vsort.dscd.msk.f32 $0xffff, v27, v9;
	v9 =	vsub.f32 v28, v50;
	v46 =	vsub.f32 v24, v50;
	v44 =	vnsel vm0, $0x0, v37;
	v48, _, _ =	vpop (xrf2)  }
0x1cf: {  	v16 =	vsub.f32 v16, v50;
	v11 =	vsub.f32 v11, v50;
	(xrf1) =	vsort.dscd.msk.f32 $0xffff, v38, v1;
	v49 =	vpop (erf);
	[tilespmem:s20+$0xFFFFFFB0] =	vst v29  }
0x1d0: {  	v57 =	vsub.f32 v53, v50;
	v51 =	vmul.f32 $1.442695020e+00, v9;
	v54 =	vmul.f32 $1.442695020e+00, v46;
	v27 =	vpop (erf);
	(xrf2) =	vadd.scan.msk.f32 $0xffff, v44  }
0x1d1: {  	v53 =	vmul.f32 $1.442695020e+00, v16;
	v46 =	vmul.f32 $1.442695020e+00, v11;
	(xrf1) =	vsort.dscd.msk.f32 $0xffff, v41, v0;
	v24, v28, _ =	vpop (xrf1);
	v58 =	vadd.f32 v36, v27  }
0x1d2: {  	v48 =	vperm.xlane v48, v6;
	v50 =	vnsel vm0, $0x0, v49;
	v44 =	vmul.f32 $1.442695020e+00, v57;
	v29 =	vpop (erf)  }
0x1d3: {  	v9 =	vmovc v42;
	v11 =	vmovc v13;
	v13 =	vmov v45;
	v16 =	vmov v23;
	v56 =	vadd.f32 v58, v29  }
0x1d4: {  	v42 =	vperm.xlane v24, v4;
	v23 =	vmov v52;
	v24 =	vmov v25;
	(xrf2) =	vadd.scan.msk.f32 $0xffff, v50;
	v36 =	vpop (erf)  }
0x1d5: {  	v25 =	vmov v55;
	v50 =	vperm.xlane v28, v4;
	v28, v52, _ =	vpop (xrf1);
	v36 =	vmul.f32 v36, v12  }
0x1d6: {  	v55 =	vsel vm0, v28, v42;
	v57, v12, _ =	vpop (xrf1);
	v28 =	vmov v26;
	v26 =	vmov v47  }
.Ltmp1:
0x1d7: {  	v58 =	vsel vm0, v52, v50;
	v45 =	vperm.xlane v12, v4;
	(erf) = vpow2.f32 v51;
	v12 =	vmovc v49;
	(pc) =	sbr.rel @p0 .LBB2_5-.Ltmp1, $4  }
0x1d8: {  	v42, v47, _ =	vpop (xrf1);
	(xrf2) =	vadd.scan.msk.f32 $0xffff, v56;
	(erf) = vpow2.f32 v54  }
0x1d9: {  	v54 =	vperm.xlane v42, v4;
	v42 =	vperm.xlane v47, v4;
	v51, v49, _ =	vpop (xrf1)  }
0x1da: {  	v47 =	vperm.xlane v57, v4;
	(erf) = vrcp.f32 v48;
	v48, _, _ =	vpop (xrf2)  }
0x1db: {  	v51 =	vsel vm0, v51, v54;
	v50, v52, _ =	vpop (xrf1);
	(xrf1) =	vsort.dscd.msk.f32 $0xffff, v55, v58;
	(erf) = vpow2.f32 v53;
	v48 =	vperm.xlane v48, v6  }
0x1dc: {  	v47 =	vsel vm0, v50, v47  }
0x1dd: {  	v49 =	vsel vm0, v49, v42;
	v53, v42, _ =	vpop (xrf1);
	v45 =	vsel vm0, v52, v45  }
0x1de: {  	v58, v54, _ =	vpop (xrf1)  }
0x1df: {  	(xrf1) =	vsort.dscd.msk.f32 $0xffff, v51, v49;
	v59 =	vperm.xlane v58, v4;
	v60 =	vperm.xlane v54, v4  }
0x1e0: {  	(xrf1) =	vsort.dscd.msk.f32 $0xffff, v47, v45;
	v45, v47, _ =	vpop (xrf1)  }
0x1e1: {  	v45 =	vsel vm0, v45, v59;
	v47 =	vsel vm0, v47, v60  }
0x1e2: {  	(erf) = vpow2.f32 v46;
	v61 =	vperm.xlane v53, v5;
	(xrf1) =	vsort.dscd.msk.f32 $0xffff, v45, v47;
	_ =	sdelay $0x1  }
0x1e3: {  	v31 =	vsub.f32 v31, v61  }
0x1e4: {  	v51, _, _ =	vpop (xrf2)  }
0x1e5: {  	(erf) = vrcp.f32 v48;
	v35 =	vsub.f32 v35, v61;
	v31 =	vmul.f32 $1.442695020e+00, v31;
	v62, _, _ =	vpop (xrf2)  }
0x1e6: {  	v63 =	vperm.xlane v40, v4;
	v40 =	vpop (erf);
	v52 =	vperm.xlane v62, v6  }
0x1e7: {  	v54 =	vsub.f32 v53, v61;
	v55 =	vmul.f32 $1.442695020e+00, v35;
	(erf) = vpow2.f32 v31;
	v45 =	vpop (erf)  }
0x1e8: {  	v56 =	vsel vm0, v39, v63;
	v34 =	vsub.f32 v34, v61;
	v49 =	vpop (erf);
	(erf) = vrcp.f32 v52  }
0x1e9: {  	v58 =	vsub.f32 v32, v61;
	v57 =	vmul.f32 $1.442695020e+00, v54;
	v39 =	vpop (erf);
	(erf) = vpow2.f32 v55  }
0x1ea: {  	v59 =	vmul.f32 $1.442695020e+00, v34;
	(xrf1) =	vsort.dscd.msk.f32 $0xffff, v43, v56;
	(erf) = vpow2.f32 v44;
	v46 =	vpop (erf)  }
0x1eb: {  	v31 =	vmul.f32 $1.442695020e+00, v58;
	(erf) = vpow2.f32 v57;
	v52, v53, _ =	vpop (xrf1)  }
0x1ec: {  	(erf) = vpow2.f32 v59;
	v54, v55, _ =	vpop (xrf1)  }
0x1ed: {  	v63 =	vadd.f32 v45, v40;
	(erf) = vpow2.f32 v31;
	v61, v60, _ =	vpop (xrf1)  }
0x1ee: {  	v50 =	vpop (erf);
	v62 =	vperm.xlane v61, v4;
	v35 =	vperm.xlane v60, v4  }
0x1ef: {  	v34 =	vadd.f32 v63, v39;
	v56, v57, _ =	vpop (xrf1)  }
0x1f0: {  	v31 =	vpop (erf);
	v32 =	vsel vm0, v56, v62;
	v35 =	vsel vm0, v57, v35  }
0x1f1: {  	v58 =	vadd.f32 v34, v46;
	v44 =	vpop (erf);
	(xrf1) =	vsort.dscd.msk.f32 $0xffff, v32, v35  }
0x1f2: {  	v43 =	vpop (erf)  }
0x1f3: {  	(xrf2) =	vadd.scan.msk.f32 $0xffff, v58;
	v48 =	vpop (erf)  }
0x1f4: {  	v59 =	vadd.f32 v43, v31;
	v32 =	vpop (erf)  }
0x1f5: {  	v34 =	vpop (erf)  }
0x1f6: {  	v56 =	vadd.f32 v59, v34  }
0x1f7: {  	v57 =	vnsel vm0, $0x0, v48;
	v47 =	vpop (erf)  }
0x1f8: {  	(xrf2) =	vadd.scan.msk.f32 $0xffff, v57;
	v58, v35, _ =	vpop (xrf1);
	v60 =	vnsel vm0, $0x0, v32;
	v56 =	vadd.f32 v56, v47  }
0x1f9: {  	v59 =	vperm.xlane v58, v5;
	(xrf2) =	vadd.scan.msk.f32 $0xffff, v60  }
0x1fa: {  	(xrf2) =	vadd.scan.msk.f32 $0xffff, v56  }
0x1fb: {  	v51 =	vperm.xlane v51, v6;
	v28 =	vsub.f32 v28, v59  }
0x1fc: {  	v52 =	vperm.xlane v52, v4;
	v24 =	vsub.f32 v24, v59  }
0x1fd: {  	(erf) = vrcp.f32 v51;
	v61, _, _ =	vpop (xrf2);
	v28 =	vmul.f32 $1.442695020e+00, v28  }
0x1fe: {  	v51 =	vperm.xlane v61, v6;
	v24 =	vmul.f32 $1.442695020e+00, v24  }
0x1ff: {  	v16 =	vsub.f32 v16, v59;
	v62 =	vsub.f32 v11, v59;
	(erf) = vpow2.f32 v28;
	v63, v11, _ =	vpop (xrf1)  }
0x200: {  	(erf) = vpow2.f32 v24;
	v24 =	vperm.xlane v63, v5  }
0x201: {  	v53 =	vperm.xlane v53, v4;
	v61 =	vsub.f32 v58, v59;
	v16 =	vmul.f32 $1.442695020e+00, v16  }
0x202: {  	v56 =	vmul.f32 $1.442695020e+00, v62;
	v57, _, _ =	vpop (xrf2);
	(erf) = vrcp.f32 v51;
	v60 =	vsub.f32 v41, v24  }
0x203: {  	v51 =	vsel vm0, v54, v52;
	v52 =	vperm.xlane v57, v6;
	(erf) = vpow2.f32 v16;
	v54, _, _ =	vpop (xrf2)  }
0x204: {  	(erf) = vpow2.f32 v56;
	v38 =	vsub.f32 v38, v24;
	v62, _, _ =	vpop (xrf2);
	v16 =	vmul.f32 $1.442695020e+00, v60  }
0x205: {  	(erf) = vrcp.f32 v52;
	v28 =	vsub.f32 v63, v24;
	v63 =	vperm.xlane v62, v6  }
0x206: {  	v53 =	vsel vm0, v55, v53;
	v56 =	vmul.f32 $1.442695020e+00, v38;
	(erf) = vpow2.f32 v16  }
0x207: {  	v57 =	vmul.f32 $1.442695020e+00, v61;
	(xrf1) =	vsort.dscd.msk.f32 $0xffff, v51, v53;
	v33 =	vsub.f32 v33, v24;
	(erf) = vrcp.f32 v63  }
0x208: {  	v41 =	vpop (erf);
	v28 =	vmul.f32 $1.442695020e+00, v28;
	(erf) = vpow2.f32 v56  }
0x209: {  	v58 =	vsub.f32 v30, v24;
	v51 =	vpop (erf);
	v59 =	vmul.f32 $1.442695020e+00, v33;
	(erf) = vpow2.f32 v57  }
0x20a: {  	v52 =	vpop (erf);
	(erf) = vpow2.f32 v28  }
0x20b: {  	v16 =	vmul.f32 $1.442695020e+00, v58;
	v60 =	vadd.f32 v52, v51;
	v53 =	vpop (erf);
	(erf) = vpow2.f32 v59  }
0x20c: {  	v55 =	vpop (erf)  }
0x20d: {  	v61 =	vadd.f32 v60, v55;
	v56 =	vpop (erf);
	(erf) = vpow2.f32 v16  }
0x20e: {  	v57 =	vpop (erf)  }
0x20f: {  	v24 =	vadd.f32 v61, v56;
	v16 =	vpop (erf)  }
0x210: {  	v38 =	vpop (erf)  }
0x211: {  	(xrf2) =	vadd.scan.msk.f32 $0xffff, v24;
	v33 =	vpop (erf)  }
0x212: {  	v58 =	vpop (erf)  }
0x213: {  	v59 =	vadd.f32 v33, v16;
	v24 =	vpop (erf)  }
0x214: {  	v28 =	vpop (erf)  }
0x215: {  	v60, v30, _ =	vpop (xrf1);
	v62 =	vnsel vm0, $0x0, v58;
	v59 =	vadd.f32 v59, v28  }
0x216: {  	v61 =	vperm.xlane v60, v5;
	(xrf2) =	vadd.scan.msk.f32 $0xffff, v62;
	v63 =	vpop (erf)  }
0x217: {  	v62 =	vnsel vm0, $0x0, v24;
	v59 =	vadd.f32 v59, v63  }
0x218: {  	v26 =	vsub.f32 v26, v61;
	(xrf2) =	vadd.scan.msk.f32 $0xffff, v62  }
0x219: {  	v54 =	vperm.xlane v54, v6;
	v25 =	vsub.f32 v25, v61;
	(xrf2) =	vadd.scan.msk.f32 $0xffff, v59  }
0x21a: {  	v26 =	vmul.f32 $1.442695020e+00, v26  }
0x21b: {  	v23 =	vsub.f32 v23, v61;
	(erf) = vrcp.f32 v54;
	v25 =	vmul.f32 $1.442695020e+00, v25;
	v62, _, _ =	vpop (xrf2)  }
0x21c: {  	(erf) = vpow2.f32 v26;
	v62 =	vperm.xlane v62, v6  }
0x21d: {  	v13 =	vsub.f32 v13, v61;
	v23 =	vmul.f32 $1.442695020e+00, v23;
	(erf) = vpow2.f32 v25  }
0x21e: {  	v19 =	vmul.f32 v19, v49;
	(erf) = vrcp.f32 v62  }
0x21f: {  	s0 =	sshll.u32 s28, $0x7;
	v13 =	vmul.f32 $1.442695020e+00, v13;
	(erf) = vpow2.f32 v23  }
0x220: {  	[tilespmem:s20+$0xFFFFFF80] =	vst v20;
	s2 =	sadd.s32 $0x80, s0;
	v17 =	vmul.f32 v17, v49;
	v15 =	vmul.f32 v15, v49;
	v59 =	vsub.f32 v60, v61;
	v54, _, _ =	vpop (xrf2)  }
0x221: {  	[tilespmem:s20+$0xFFFFFFA0] =	vst v21;
	v23 =	vor.u32 s2, v0;
	(erf) = vpow2.f32 v13;
	v13 =	vperm.xlane v54, v6  }
0x222: {  	[tilespmem:s20+$0x0] =	vst v19;
	v19, _, _ =	vpop (xrf2)  }
0x223: {  	v14 =	vmul.f32 v14, v49;
	[tilespmem:s20+$0x10] =	vst v17;
	v17 =	vmul.f32 $1.442695020e+00, v59;
	v60, _, _ =	vpop (xrf2)  }
0x224: {  	[tilespmem:s20+$0x20] =	vst v15;
	v15 =	vpop (erf);
	v25 =	vperm.xlane v60, v6  }
0x225: {  	[tilespmem:s20+$0x30] =	vst v14;
	v22 =	vmul.f32 v22, v44;
	v62 =	vor.u32 s0, v0;
	(erf) = vrcp.f32 v13;
	v13 =	vpop (erf)  }
0x226: {  	v29 =	vmul.f32 v29, v44;
	[tilespmem:v23+s13+$0x0] =	vst.idx.msk $0xff, v8;
	v8 =	vpop (erf);
	(erf) = vrcp.f32 v25  }
0x227: {  	v10 =	vmul.f32 v10, v44;
	[tilespmem:s21+$0xFFFFFF90] =	vst v22;
	v25 =	vadd.f32 v8, v13;
	(erf) = vpow2.f32 v17;
	v17 =	vpop (erf)  }
0x228: {  	[tilespmem:s21+$0xFFFFFFB0] =	vst v29;
	v20 =	vpop (erf)  }
0x229: {  	[tilespmem:s21+$0xFFFFFF80] =	vst v10;
	v40 =	vmul.f32 v40, v53;
	v26 =	vadd.f32 v25, v20  }
0x22a: {  	v45 =	vmul.f32 v45, v53;
	[tilespmem:v62+s13+$0x0] =	vst.idx.msk $0xff, v7;
	v7 =	vpop (erf)  }
0x22b: {  	[tilespmem:s21+$0x0] =	vst v40;
	v40 =	vmul.f32 v47, v38;
	v61 =	vmul.f32 v50, v37;
	v37 =	vadd.f32 v26, v7  }
0x22c: {  	[tilespmem:s21+$0x10] =	vst v45;
	v50 =	vmul.f32 v39, v53  }
0x22d: {  	s8 =	sshll.u32 s26, $0x7;
	[tilespmem:s22+$0xFFFFFFB0] =	vst v40;
	v39 =	vmul.f32 v43, v38;
	(xrf2) =	vadd.scan.msk.f32 $0xffff, v37  }
0x22e: {  	s20 =	sadd.s32 $0x80, s8;
	v59 =	vmul.f32 v46, v53;
	[tilespmem:s21+$0x20] =	vst v50;
	v54 =	vpop (erf)  }
0x22f: {  	v49 =	vor.u32 s20, v0;
	[tilespmem:s22+$0xFFFFFF90] =	vst v39;
	v22 =	vpop (erf)  }
0x230: {  	[tilespmem:s21+$0x30] =	vst v59;
	v14 =	vpop (erf)  }
0x231: {  	v53 =	vmul.f32 v34, v38;
	[tilespmem:v62+s14+$0x0] =	vst.idx.msk $0xff, v36;
	v62 =	vnsel vm0, $0x0, v14  }
0x232: {  	[tilespmem:v23+s14+$0x0] =	vst.idx.msk $0xff, v61;
	v61 =	vor.u32 s8, v0;
	(xrf2) =	vadd.scan.msk.f32 $0xffff, v62  }
0x233: {  	[tilespmem:s22+$0xFFFFFFA0] =	vst v53;
	v36 =	vmul.f32 v27, v44  }
0x234: {  	[tilespmem:v49+s13+$0x0] =	vst.idx.msk $0xff, v18;
	v60 =	vmul.f32 v57, v48  }
0x235: {  	[tilespmem:s21+$0xFFFFFFA0] =	vst v36  }
0x236: {  	s21 =	sshll.u32 s25, $0x7;
	[tilespmem:v49+s14+$0x0] =	vst.idx.msk $0xff, v60;
	v44 =	vmul.f32 v51, v17;
	v45 =	vmul.f32 v52, v17  }
0x237: {  	s25 =	sadd.s32 $0x80, s21;
	[tilespmem:v61+s13+$0x0] =	vst.idx.msk $0xff, v9;
	v37 =	vmul.f32 v41, v12;
	v41 =	vperm.xlane v19, v6;
	v43, _, _ =	vpop (xrf2)  }
0x238: {  	v46 =	vor.u32 s25, v0;
	v47 =	vmul.f32 v55, v17;
	[tilespmem:s22+$0x0] =	vst v44;
	v18 =	vperm.xlane v43, v6  }
0x239: {  	v48 =	vmul.f32 v56, v17;
	[tilespmem:s22+$0x10] =	vst v45;
	(erf) = vrcp.f32 v41  }
0x23a: {  	v51 =	vor.u32 s21, v0;
	v52 =	vmul.f32 v31, v38;
	[tilespmem:s22+$0x20] =	vst v47;
	(erf) = vrcp.f32 v18  }
0x23b: {  	[tilespmem:s22+$0x30] =	vst v48  }
0x23c: {  	[tilespmem:s22+$0xFFFFFF80] =	vst v52;
	v50 =	vmul.f32 v54, v58;
	v49, _, _ =	vpop (xrf2)  }
0x23d: {  	[tilespmem:v46+s13+$0x0] =	vst.idx.msk $0xff, v35;
	v9 =	vperm.xlane v49, v6  }
0x23e: {  	v54 =	vmul.f32 v15, v32;
	[tilespmem:v46+s14+$0x0] =	vst.idx.msk $0xff, v50  }
0x23f: {  	[tilespmem:v51+s13+$0x0] =	vst.idx.msk $0xff, v42;
	(erf) = vrcp.f32 v9  }
0x240: {  	[tilespmem:v51+s14+$0x0] =	vst.idx.msk $0xff, v54;
	v55 =	vmul.f32 v33, v22  }
0x241: {  	[tilespmem:v61+s14+$0x0] =	vst.idx.msk $0xff, v37;
	v57 =	vmul.f32 v63, v22  }
0x242: {  	v63 =	vmul.f32 v28, v22;
	[tilespmem:s23+$0xFFFFFF90] =	vst v55;
	v56 =	vpop (erf)  }
0x243: {  	s26 =	sshll.u32 s24, $0x7;
	[tilespmem:s23+$0xFFFFFFB0] =	vst v57;
	v62 =	vmul.f32 v16, v22;
	v58 =	vpop (erf)  }
0x244: {  	s28 =	sadd.s32 $0x80, s26;
	[tilespmem:s23+$0xFFFFFFA0] =	vst v63;
	v59 =	vmul.f32 v13, v58;
	v8 =	vmul.f32 v8, v58  }
0x245: {  	v60 =	vor.u32 s28, v0;
	[tilespmem:s23+$0xFFFFFF80] =	vst v62;
	v7 =	vmul.f32 v7, v58  }
0x246: {  	[tilespmem:s23+$0x0] =	vst v59  }
0x247: {  	v61 =	vmul.f32 v20, v58;
	[tilespmem:s23+$0x30] =	vst v7;
	v7 =	vor.u32 s26, v0  }
0x248: {  	[tilespmem:s23+$0x10] =	vst v8;
	v8 =	vpop (erf)  }
0x249: {  	[tilespmem:s23+$0x20] =	vst v61;
	v8 =	vmul.f32 v8, v14  }
0x24a: {  	[tilespmem:v60+s13+$0x0] =	vst.idx.msk $0xff, v30  }
0x24b: {  	[tilespmem:v60+s14+$0x0] =	vst.idx.msk $0xff, v8;
	v8 =	vmul.f32 v56, v24  }
0x24c: {  	[tilespmem:v7+s13+$0x0] =	vst.idx.msk $0xff, v11  }
0x24d: {  	s29 =	sadd.s32 s5, s19;
	[tilespmem:v7+s14+$0x0] =	vst.idx.msk $0xff, v8  }
0x24e: {  	[hbm4b:s29+s1] =	stream.linear.scatter [tilespmem:s12], [sflag:$0x3], $0x4000, $0x38;
	[tilespmem:$0x10000] =	vst v63  }
0x24f: {  	_ =	swait.ge [sflag:s15], $0x4000  }
0x250: {  	[sflag:s15] =	ssyncset.done $0x0  }
0x251: {  	s30 =	sadd.s32 s4, s19;
	[sflag:s15] =	ssyncadd.s32 $0xFFFFC000  }
0x252: {  	[hbm4b:s30+s1] =	stream.linear.scatter [tilespmem:s13], [sflag:$0x3], $0x4000, $0x38;
	[tilespmem:$0x10000] =	vst v63  }
0x253: {  	s18 =	sadd.s32 $0x1, s18;
	_ =	swait.ge [sflag:s15], $0x4000  }
0x254: {  	p0 =	sne.s32 s18, $0x4;
	[sflag:s15] =	ssyncset.done $0x0  }
.Ltmp2:
0x255: {  	s31 =	sadd.s32 s7, s19;
	[sflag:s15] =	ssyncadd.s32 $0xFFFFC000;
	(pc) =	sbr.rel @p0 .LBB2_2-.Ltmp2, $4  }
0x256: {  	[hbm4b:s31+s1] =	stream.linear.scatter [tilespmem:s14], [sflag:$0x3], $0x4000, $0x38;
	[tilespmem:$0x10000] =	vst v63  }
0x257: {  	_ =	swait.ge [sflag:s15], $0x4000  }
0x258: {  	[sflag:s15] =	ssyncset.done $0x0  }
0x259: {  	[sflag:s15] =	ssyncadd.s32 $0xFFFFC000  }
0x25a: {  	s17 =	sadd.s32 $0x1, s17  }
0x25b: {  	p0 =	sne.s32 s17, s10  }
.Ltmp3:
0x25c: {  	_ = 	snop;
	(pc) =	sbr.rel @p0 .LBB2_1-.Ltmp3, $1  }
0x25d: {  	_ =	sdelay $0x3  }
0x25e: {  	_ =	sfence.sel $0x180000  }
0x25f: {  	[bflag:$0x0] =	sbarrier.arrive $0xFFFF  }
0x260: {  	_ =	strace $0x90000047  }
0x261: {  	s0 =	stileid.u32;
	[bflag:$0x2] =	sbarrier.arrive $0xFFFF  }
0x262: {  	p0 =	sne.s32 s0, $0x0;
	s0 =	rddreg [dreg:$0x1]  }
0x263: {  	s0 =	sadd.s32 @!p0 $0x100000, s0  }
0x264: {  	[sflag:s0] =	ssyncadd.tile.s32 @!p0 $0x1;
	_ =	shalt  }
.Lfunc_end2:
_tile_overlayer_lowered:
.L_overlay_start_2:
0x265: {  	(tag) =	ssettag $0x2  }
0x266: {  	s0 =	rddreg [dreg:$0x0];
	s2 =	stileid.u32  }
0x267: {  	s1 =	rddreg [dreg:$0x1];
	p0 =	sne.s32 s2, $0x0  }
0x268: {  	s3 =	rddreg [dreg:$0x2];
	[bflag:$0x3] =	sbarrier.arrive $0xFFFF;
	s2 =	simm.s32 @!p0 $0x1C03  }
0x269: {  	[timem:s3], [sflag:s2] =	dma.local @!p0 [hbm:s0], s1  }
0x26a: {  	s0 =	simm.s32 @!p0 $0x3  }
0x26b: {  	_ =	swait.ge @!p0 [sflag:s0], s1  }
0x26c: {  	s1 =	ssub.s32 @!p0 $0x0, s1;
	[sflag:s0] =	ssyncset.done @!p0 $0x0  }
0x26d: {  	[sflag:s0] =	ssyncadd.s32 @!p0 s1  }
0x26e: {  	[bflag:$0x3] =	sbarrier.arrive $0xFFFF  }
0x26f: {  	_ =	shalt  }

</sc_bundles>
